<compile_context>
chip_gen: v7x
topology: tpu7x:2x2x1
jax: 0.10.2.dev20260603
libtpu: 0.0.44.dev20260713+nightly
codegen_flags: <defaults>
</compile_context>

<pallas_src>
import functools

import jax
import jax.numpy as jnp
from jax import lax
from jax.experimental import pallas as pl
from jax.experimental.pallas import tpu as pltpu
from jax.experimental.pallas import tpu_sc as plsc

G = 4
NBUF = 2


def _build_gather(n_rows: int, seq: int, d: int, nc: int, ns: int):
    nw = nc * ns
    per_w = n_rows // nw
    v_total = per_w // G
    t_total = v_total // NBUF
    splits = [(0, 128), (128, seq - 128)] if seq > 128 else [(0, seq)]
    mesh = plsc.VectorSubcoreMesh(core_axis_name="c", subcore_axis_name="s")

    @functools.partial(
        pl.kernel,
        mesh=mesh,
        out_type=jax.ShapeDtypeStruct((n_rows, seq, d), jnp.float32),
        scratch_types=[
            pltpu.VMEM((NBUF, G, seq), jnp.int32),
            pltpu.VMEM((NBUF, G, seq, d), jnp.float32),
            pltpu.SemaphoreType.DMA,
            pltpu.SemaphoreType.DMA,
            pltpu.SemaphoreType.DMA,
            pltpu.SemaphoreType.DMA,
        ],
        compiler_params=pltpu.CompilerParams(
            use_tc_tiling_on_sc=False,
            disable_bounds_checks=True,
            disable_semaphore_checks=True,
        ),
    )
    def gather(idx_hbm, table_hbm, out_hbm, idx_v, rows_v, gs0, gs1, ss0, ss1):
        wid = lax.axis_index("s") * nc + lax.axis_index("c")
        base = wid * per_w
        g_sems = (gs0, gs1)
        s_sems = (ss0, ss1)

        def fire(b):
            for i in range(G):
                for off, ln in splits:
                    pltpu.async_copy(
                        table_hbm.at[idx_v.at[b, i, pl.ds(off, ln)]],
                        rows_v.at[b, i, pl.ds(off, ln)],
                        g_sems[b],
                    )

        def drain(b):
            for i in range(G):
                for off, ln in splits:
                    pltpu.make_async_copy(
                        table_hbm.at[idx_v.at[b, i, pl.ds(off, ln)]],
                        rows_v.at[b, i, pl.ds(off, ln)],
                        g_sems[b],
                    ).wait()

        pltpu.sync_copy(idx_hbm.at[pl.ds(base, G)], idx_v.at[0])

        def outer(t, carry):
            for b in range(NBUF):
                bp = 1 - b
                row0 = base + (t * NBUF + b) * G

                @pl.when(t >= 1)
                def _wait_store():
                    pltpu.make_async_copy(
                        rows_v.at[b],
                        out_hbm.at[pl.ds(row0 - NBUF * G, G)],
                        s_sems[b],
                    ).wait()

                fire(b)

                def _drain_store():
                    drain(bp)
                    pltpu.async_copy(
                        rows_v.at[bp], out_hbm.at[pl.ds(row0 - G, G)], s_sems[bp]
                    )

                if b == 0:
                    pl.when(t >= 1)(_drain_store)
                else:
                    _drain_store()

                def _load_idx():
                    pltpu.sync_copy(
                        idx_hbm.at[pl.ds(row0 + G, G)], idx_v.at[bp]
                    )

                if b == NBUF - 1:
                    pl.when(t < t_total - 1)(_load_idx)
                else:
                    _load_idx()
            return carry

        lax.fori_loop(0, t_total, outer, 0)

        last_row0 = base + (v_total - 1) * G
        drain(1)
        pltpu.async_copy(rows_v.at[1], out_hbm.at[pl.ds(last_row0, G)], ss1)
        pltpu.make_async_copy(
            rows_v.at[0], out_hbm.at[pl.ds(last_row0 - G, G)], ss0
        ).wait()
        pltpu.make_async_copy(
            rows_v.at[1], out_hbm.at[pl.ds(last_row0, G)], ss1
        ).wait()

    return gather


def kernel(input_ids, wte):
    n_rows, seq = input_ids.shape
    d = wte.shape[1]
    out = _build_gather(n_rows, seq, d, 2, 16)(input_ids, wte)
    return out

# --- scband reference (transcript-rebuilt; emitter-appended) ---
"""Pipeline reference for scband-embedding-flax-17910013624923 (READ-ONLY COPY).

The authoritative reference and input builder live on the scoring server;
editing this copy changes nothing except your own understanding.
"""

import jax, jax.numpy as jnp
import numpy as np

VOCAB = 1000000
N_EMBD = 64

def setup_inputs(seed: int = 0) -> dict:
    key = jax.random.key(seed)
    k1, k2 = jax.random.split(key)
    input_ids = jax.random.randint(k1, (4096, 200), 0, VOCAB, dtype=jnp.int64 if jax.config.jax_enable_x64 else jnp.int32)
    # nn.Embed default init: variance-scaling-like normal; use scaled normal
    wte = jax.random.normal(k2, (VOCAB, N_EMBD), dtype=jnp.float32) * (1.0 / np.sqrt(N_EMBD))
    return {"input_ids": input_ids, "wte": wte}

def reference(input_ids, wte):
    # EmbeddingFlax.__call__: wte(input_ids.reshape(-1, input_ids.shape[-1])) then dropout (deterministic=True -> identity)
    ids = input_ids.reshape(-1, input_ids.shape[-1])
    emb = jnp.take(wte, ids, axis=0)
    # dropout with deterministic=True is identity
    return emb

if __name__ == "__main__":
    import jax
    _d = setup_inputs()
    print(jax.jit(kernel)(*tuple(_d.values())))

</pallas_src>

<mosaic_0001>
#map = affine_map<(d0, d1) -> (0, 0)>
#map1 = affine_map<(d0, d1) -> (0, 0, 0)>
module attributes {stable_mosaic.version = 14 : i64} {
  func.func @gather(%arg0: i32, %arg1: i32, %arg2: memref<4096x200xi32, #tpu.memory_space<hbm>>, %arg3: memref<1000000x64xf32, #tpu.memory_space<hbm>>, %arg4: memref<4096x200x64xf32, #tpu.memory_space<hbm>>, %arg5: memref<2x4x200xi32, #tpu.memory_space<vmem>>, %arg6: memref<2x4x200x64xf32, #tpu.memory_space<vmem>>, %arg7: memref<!tpu.dma_semaphore, #tpu.memory_space<semaphore_mem>>, %arg8: memref<!tpu.dma_semaphore, #tpu.memory_space<semaphore_mem>>, %arg9: memref<!tpu.dma_semaphore, #tpu.memory_space<semaphore_mem>>, %arg10: memref<!tpu.dma_semaphore, #tpu.memory_space<semaphore_mem>>) attributes {dimension_semantics = [#tpu.dimension_semantics<core_parallel>, #tpu.dimension_semantics<subcore_parallel>], iteration_bounds = array<i64: 2, 16>, scalar_prefetch = 0 : i64, scratch_operands = 6 : i64, tpu.core_type = #tpu.core_type<sc_vector_subcore>, window_params = [{transform_indices = #map}, {transform_indices = #map}, {transform_indices = #map1}]} {
    %mul3A = arith.constant 2 : i32
    %mul3A_0 = arith.muli %arg1, %mul3A : i32
    %add3A = arith.addi %mul3A_0, %arg0 : i32
    %mul3A_1 = arith.constant 128 : i32
    %mul3A_2 = arith.muli %add3A, %mul3A_1 : i32
    %run_scoped3A = arith.constant 0 : i32
    "tpu.region"() ({
      %run_scoped3A_172 = tpu.sem_alloc : memref<!tpu.dma_semaphore, #tpu.memory_space<semaphore_mem>>
      %dma_start3A_173 = arith.constant 0 : i32
      %dma_start3A_174 = arith.constant 0 : i32
      %dma_start3A_175 = tpu.memref_slice %arg5[%run_scoped3A, %dma_start3A_173, %dma_start3A_174] : memref<2x4x200xi32, #tpu.memory_space<vmem>> -> memref<1x4x200xi32, #tpu.memory_space<vmem>>
      %dma_start3A_176 = tpu.memref_squeeze %dma_start3A_175 : memref<1x4x200xi32, #tpu.memory_space<vmem>> -> memref<4x200xi32, #tpu.memory_space<vmem>>
      %dma_start3A_177 = arith.constant 0 : i32
      %dma_start3A_178 = tpu.memref_slice %arg2[%mul3A_2, %dma_start3A_177] : memref<4096x200xi32, #tpu.memory_space<hbm>> -> memref<4x200xi32, #tpu.memory_space<hbm>>
      %dma_start3A_179 = arith.constant 0 : i32
      %dma_start3A_180 = arith.constant 0 : i32
      %dma_start3A_181 = tpu.memref_slice %arg5[%run_scoped3A, %dma_start3A_179, %dma_start3A_180] : memref<2x4x200xi32, #tpu.memory_space<vmem>> -> memref<1x4x200xi32, #tpu.memory_space<vmem>>
      %dma_start3A_182 = tpu.memref_squeeze %dma_start3A_181 : memref<1x4x200xi32, #tpu.memory_space<vmem>> -> memref<4x200xi32, #tpu.memory_space<vmem>>
      %dma_start3A_183 = arith.constant 0 : i32
      %dma_start3A_184 = tpu.memref_slice %arg2[%mul3A_2, %dma_start3A_183] : memref<4096x200xi32, #tpu.memory_space<hbm>> -> memref<4x200xi32, #tpu.memory_space<hbm>>
      tpu.enqueue_dma source(%dma_start3A_184 : memref<4x200xi32, #tpu.memory_space<hbm>>) target(%dma_start3A_182 : memref<4x200xi32, #tpu.memory_space<vmem>>) target_semaphore(%run_scoped3A_172 : memref<!tpu.dma_semaphore, #tpu.memory_space<semaphore_mem>>)
      %dma_wait3A_185 = arith.constant 0 : i32
      %dma_wait3A_186 = arith.constant 0 : i32
      %dma_wait3A_187 = tpu.memref_slice %arg5[%run_scoped3A, %dma_wait3A_185, %dma_wait3A_186] : memref<2x4x200xi32, #tpu.memory_space<vmem>> -> memref<1x4x200xi32, #tpu.memory_space<vmem>>
      %dma_wait3A_188 = tpu.memref_squeeze %dma_wait3A_187 : memref<1x4x200xi32, #tpu.memory_space<vmem>> -> memref<4x200xi32, #tpu.memory_space<vmem>>
      %dma_wait3A_189 = arith.constant 0 : i32
      %dma_wait3A_190 = tpu.memref_slice %arg2[%mul3A_2, %dma_wait3A_189] : memref<4096x200xi32, #tpu.memory_space<hbm>> -> memref<4x200xi32, #tpu.memory_space<hbm>>
      %dma_wait3A_191 = arith.constant 0 : i32
      %dma_wait3A_192 = arith.constant 0 : i32
      %dma_wait3A_193 = tpu.memref_slice %arg5[%run_scoped3A, %dma_wait3A_191, %dma_wait3A_192] : memref<2x4x200xi32, #tpu.memory_space<vmem>> -> memref<1x4x200xi32, #tpu.memory_space<vmem>>
      %dma_wait3A_194 = tpu.memref_squeeze %dma_wait3A_193 : memref<1x4x200xi32, #tpu.memory_space<vmem>> -> memref<4x200xi32, #tpu.memory_space<vmem>>
      %dma_wait3A_195 = arith.constant 0 : i32
      %dma_wait3A_196 = tpu.memref_slice %arg2[%mul3A_2, %dma_wait3A_195] : memref<4096x200xi32, #tpu.memory_space<hbm>> -> memref<4x200xi32, #tpu.memory_space<hbm>>
      tpu.wait_dma2 semaphore(%run_scoped3A_172 : memref<!tpu.dma_semaphore, #tpu.memory_space<semaphore_mem>>) src(%dma_wait3A_196 : memref<4x200xi32, #tpu.memory_space<hbm>>) dst(%dma_wait3A_194 : memref<4x200xi32, #tpu.memory_space<vmem>>)
      tpu.yield
    }) : () -> ()
    %scan3A = arith.constant 0 : i32
    %scan3A_3 = arith.constant 0 : i32
    %scan3A_4 = arith.constant 16 : i32
    %scan3A_5 = arith.addi %scan3A_3, %scan3A_4 : i32
    %scan3A_6 = arith.constant 1 : i32
    scf.for %scan3A_172 = %scan3A_3 to %scan3A_5 step %scan3A_6  : i32 {
      %mul3A_173 = arith.constant 2 : i32
      %mul3A_174 = arith.muli %scan3A_172, %mul3A_173 : i32
      %add3A_175 = arith.constant 0 : i32
      %add3A_176 = arith.addi %mul3A_174, %add3A_175 : i32
      %mul3A_177 = arith.constant 4 : i32
      %mul3A_178 = arith.muli %add3A_176, %mul3A_177 : i32
      %add3A_179 = arith.addi %mul3A_2, %mul3A_178 : i32
      %ge3A = arith.constant 1 : i32
      %ge3A_180 = arith.cmpi sge, %scan3A_172, %ge3A : i32
      %convert_element_type3A = arith.extui %ge3A_180 : i1 to i32
      %cond3A = arith.constant 0 : i32
      %cond3A_181 = arith.cmpi ne, %convert_element_type3A, %cond3A : i32
      scf.if %cond3A_181 {
        %sub3A_561 = arith.constant 8 : i32
        %sub3A_562 = arith.subi %add3A_179, %sub3A_561 : i32
        %dma_wait3A_563 = arith.constant 0 : i32
        %dma_wait3A_564 = arith.constant 0 : i32
        %dma_wait3A_565 = arith.constant 0 : i32
        %dma_wait3A_566 = arith.constant 0 : i32
        %dma_wait3A_567 = tpu.memref_slice %arg6[%dma_wait3A_563, %dma_wait3A_564, %dma_wait3A_565, %dma_wait3A_566] : memref<2x4x200x64xf32, #tpu.memory_space<vmem>> -> memref<1x4x200x64xf32, #tpu.memory_space<vmem>>
        %dma_wait3A_568 = tpu.memref_squeeze %dma_wait3A_567 : memref<1x4x200x64xf32, #tpu.memory_space<vmem>> -> memref<4x200x64xf32, #tpu.memory_space<vmem>>
        %dma_wait3A_569 = arith.constant 0 : i32
        %dma_wait3A_570 = arith.constant 0 : i32
        %dma_wait3A_571 = tpu.memref_slice %arg4[%sub3A_562, %dma_wait3A_569, %dma_wait3A_570] : memref<4096x200x64xf32, #tpu.memory_space<hbm>> -> memref<4x200x64xf32, #tpu.memory_space<hbm>>
        %dma_wait3A_572 = arith.constant 0 : i32
        %dma_wait3A_573 = arith.constant 0 : i32
        %dma_wait3A_574 = tpu.memref_slice %arg4[%sub3A_562, %dma_wait3A_572, %dma_wait3A_573] : memref<4096x200x64xf32, #tpu.memory_space<hbm>> -> memref<4x200x64xf32, #tpu.memory_space<hbm>>
        %dma_wait3A_575 = arith.constant 0 : i32
        %dma_wait3A_576 = arith.constant 0 : i32
        %dma_wait3A_577 = arith.constant 0 : i32
        %dma_wait3A_578 = tpu.memref_slice %arg6[%dma_wait3A_563, %dma_wait3A_575, %dma_wait3A_576, %dma_wait3A_577] : memref<2x4x200x64xf32, #tpu.memory_space<vmem>> -> memref<1x4x200x64xf32, #tpu.memory_space<vmem>>
        %dma_wait3A_579 = tpu.memref_squeeze %dma_wait3A_578 : memref<1x4x200x64xf32, #tpu.memory_space<vmem>> -> memref<4x200x64xf32, #tpu.memory_space<vmem>>
        tpu.wait_dma2 semaphore(%arg9 : memref<!tpu.dma_semaphore, #tpu.memory_space<semaphore_mem>>) src(%dma_wait3A_579 : memref<4x200x64xf32, #tpu.memory_space<vmem>>) dst(%dma_wait3A_574 : memref<4x200x64xf32, #tpu.memory_space<hbm>>)
      } else {
      }
      %dma_start3A_182 = arith.constant 0 : i32
      %dma_start3A_183 = arith.constant 0 : i32
      %dma_start3A_184 = arith.constant 0 : i32
      %dma_start3A_185 = arith.constant 0 : i32
      %dma_start3A_186 = arith.constant 0 : i32
      %dma_start3A_187 = arith.constant 0 : i32
      %dma_start3A_188 = tpu.memref_slice %arg6[%dma_start3A_184, %dma_start3A_185, %dma_start3A_186, %dma_start3A_187] : memref<2x4x200x64xf32, #tpu.memory_space<vmem>> -> memref<1x1x128x64xf32, #tpu.memory_space<vmem>>
      %dma_start3A_189 = tpu.memref_squeeze %dma_start3A_188 : memref<1x1x128x64xf32, #tpu.memory_space<vmem>> -> memref<128x64xf32, #tpu.memory_space<vmem>>
      %dma_start3A_190 = arith.constant 0 : i32
      %dma_start3A_191 = tpu.memref_slice %arg5[%dma_start3A_182, %dma_start3A_183, %dma_start3A_190] : memref<2x4x200xi32, #tpu.memory_space<vmem>> -> memref<1x1x128xi32, #tpu.memory_space<vmem>>
      %dma_start3A_192 = tpu.memref_squeeze %dma_start3A_191 : memref<1x1x128xi32, #tpu.memory_space<vmem>> -> memref<128xi32, #tpu.memory_space<vmem>>
      %dma_start3A_193 = arith.constant 0 : i32
      %dma_start3A_194 = arith.constant 0 : i32
      %dma_start3A_195 = tpu.memref_slice %arg3[%dma_start3A_193, %dma_start3A_194] : memref<1000000x64xf32, #tpu.memory_space<hbm>> -> memref<1000000x64xf32, #tpu.memory_space<hbm>>
      tpu.enqueue_indirect_dma source(%dma_start3A_195 : memref<1000000x64xf32, #tpu.memory_space<hbm>>) target(%dma_start3A_189 : memref<128x64xf32, #tpu.memory_space<vmem>>) offsets(%dma_start3A_192 : memref<128xi32, #tpu.memory_space<vmem>>) semaphore(%arg7 : memref<!tpu.dma_semaphore, #tpu.memory_space<semaphore_mem>>)
      %dma_start3A_196 = arith.constant 0 : i32
      %dma_start3A_197 = arith.constant 0 : i32
      %dma_start3A_198 = arith.constant 0 : i32
      %dma_start3A_199 = arith.constant 0 : i32
      %dma_start3A_200 = arith.constant 128 : i32
      %dma_start3A_201 = arith.constant 0 : i32
      %dma_start3A_202 = tpu.memref_slice %arg6[%dma_start3A_198, %dma_start3A_199, %dma_start3A_200, %dma_start3A_201] : memref<2x4x200x64xf32, #tpu.memory_space<vmem>> -> memref<1x1x72x64xf32, #tpu.memory_space<vmem>>
      %dma_start3A_203 = tpu.memref_squeeze %dma_start3A_202 : memref<1x1x72x64xf32, #tpu.memory_space<vmem>> -> memref<72x64xf32, #tpu.memory_space<vmem>>
      %dma_start3A_204 = arith.constant 128 : i32
      %dma_start3A_205 = tpu.memref_slice %arg5[%dma_start3A_196, %dma_start3A_197, %dma_start3A_204] : memref<2x4x200xi32, #tpu.memory_space<vmem>> -> memref<1x1x72xi32, #tpu.memory_space<vmem>>
      %dma_start3A_206 = tpu.memref_squeeze %dma_start3A_205 : memref<1x1x72xi32, #tpu.memory_space<vmem>> -> memref<72xi32, #tpu.memory_space<vmem>>
      %dma_start3A_207 = arith.constant 0 : i32
      %dma_start3A_208 = arith.constant 0 : i32
      %dma_start3A_209 = tpu.memref_slice %arg3[%dma_start3A_207, %dma_start3A_208] : memref<1000000x64xf32, #tpu.memory_space<hbm>> -> memref<1000000x64xf32, #tpu.memory_space<hbm>>
      tpu.enqueue_indirect_dma source(%dma_start3A_209 : memref<1000000x64xf32, #tpu.memory_space<hbm>>) target(%dma_start3A_203 : memref<72x64xf32, #tpu.memory_space<vmem>>) offsets(%dma_start3A_206 : memref<72xi32, #tpu.memory_space<vmem>>) semaphore(%arg7 : memref<!tpu.dma_semaphore, #tpu.memory_space<semaphore_mem>>)
      %dma_start3A_210 = arith.constant 0 : i32
      %dma_start3A_211 = arith.constant 1 : i32
      %dma_start3A_212 = arith.constant 0 : i32
      %dma_start3A_213 = arith.constant 1 : i32
      %dma_start3A_214 = arith.constant 0 : i32
      %dma_start3A_215 = arith.constant 0 : i32
      %dma_start3A_216 = tpu.memref_slice %arg6[%dma_start3A_212, %dma_start3A_213, %dma_start3A_214, %dma_start3A_215] : memref<2x4x200x64xf32, #tpu.memory_space<vmem>> -> memref<1x1x128x64xf32, #tpu.memory_space<vmem>>
      %dma_start3A_217 = tpu.memref_squeeze %dma_start3A_216 : memref<1x1x128x64xf32, #tpu.memory_space<vmem>> -> memref<128x64xf32, #tpu.memory_space<vmem>>
      %dma_start3A_218 = arith.constant 0 : i32
      %dma_start3A_219 = tpu.memref_slice %arg5[%dma_start3A_210, %dma_start3A_211, %dma_start3A_218] : memref<2x4x200xi32, #tpu.memory_space<vmem>> -> memref<1x1x128xi32, #tpu.memory_space<vmem>>
      %dma_start3A_220 = tpu.memref_squeeze %dma_start3A_219 : memref<1x1x128xi32, #tpu.memory_space<vmem>> -> memref<128xi32, #tpu.memory_space<vmem>>
      %dma_start3A_221 = arith.constant 0 : i32
      %dma_start3A_222 = arith.constant 0 : i32
      %dma_start3A_223 = tpu.memref_slice %arg3[%dma_start3A_221, %dma_start3A_222] : memref<1000000x64xf32, #tpu.memory_space<hbm>> -> memref<1000000x64xf32, #tpu.memory_space<hbm>>
      tpu.enqueue_indirect_dma source(%dma_start3A_223 : memref<1000000x64xf32, #tpu.memory_space<hbm>>) target(%dma_start3A_217 : memref<128x64xf32, #tpu.memory_space<vmem>>) offsets(%dma_start3A_220 : memref<128xi32, #tpu.memory_space<vmem>>) semaphore(%arg7 : memref<!tpu.dma_semaphore, #tpu.memory_space<semaphore_mem>>)
      %dma_start3A_224 = arith.constant 0 : i32
      %dma_start3A_225 = arith.constant 1 : i32
      %dma_start3A_226 = arith.constant 0 : i32
      %dma_start3A_227 = arith.constant 1 : i32
      %dma_start3A_228 = arith.constant 128 : i32
      %dma_start3A_229 = arith.constant 0 : i32
      %dma_start3A_230 = tpu.memref_slice %arg6[%dma_start3A_226, %dma_start3A_227, %dma_start3A_228, %dma_start3A_229] : memref<2x4x200x64xf32, #tpu.memory_space<vmem>> -> memref<1x1x72x64xf32, #tpu.memory_space<vmem>>
      %dma_start3A_231 = tpu.memref_squeeze %dma_start3A_230 : memref<1x1x72x64xf32, #tpu.memory_space<vmem>> -> memref<72x64xf32, #tpu.memory_space<vmem>>
      %dma_start3A_232 = arith.constant 128 : i32
      %dma_start3A_233 = tpu.memref_slice %arg5[%dma_start3A_224, %dma_start3A_225, %dma_start3A_232] : memref<2x4x200xi32, #tpu.memory_space<vmem>> -> memref<1x1x72xi32, #tpu.memory_space<vmem>>
      %dma_start3A_234 = tpu.memref_squeeze %dma_start3A_233 : memref<1x1x72xi32, #tpu.memory_space<vmem>> -> memref<72xi32, #tpu.memory_space<vmem>>
      %dma_start3A_235 = arith.constant 0 : i32
      %dma_start3A_236 = arith.constant 0 : i32
      %dma_start3A_237 = tpu.memref_slice %arg3[%dma_start3A_235, %dma_start3A_236] : memref<1000000x64xf32, #tpu.memory_space<hbm>> -> memref<1000000x64xf32, #tpu.memory_space<hbm>>
      tpu.enqueue_indirect_dma source(%dma_start3A_237 : memref<1000000x64xf32, #tpu.memory_space<hbm>>) target(%dma_start3A_231 : memref<72x64xf32, #tpu.memory_space<vmem>>) offsets(%dma_start3A_234 : memref<72xi32, #tpu.memory_space<vmem>>) semaphore(%arg7 : memref<!tpu.dma_semaphore, #tpu.memory_space<semaphore_mem>>)
      %dma_start3A_238 = arith.constant 0 : i32
      %dma_start3A_239 = arith.constant 2 : i32
      %dma_start3A_240 = arith.constant 0 : i32
      %dma_start3A_241 = arith.constant 2 : i32
      %dma_start3A_242 = arith.constant 0 : i32
      %dma_start3A_243 = arith.constant 0 : i32
      %dma_start3A_244 = tpu.memref_slice %arg6[%dma_start3A_240, %dma_start3A_241, %dma_start3A_242, %dma_start3A_243] : memref<2x4x200x64xf32, #tpu.memory_space<vmem>> -> memref<1x1x128x64xf32, #tpu.memory_space<vmem>>
      %dma_start3A_245 = tpu.memref_squeeze %dma_start3A_244 : memref<1x1x128x64xf32, #tpu.memory_space<vmem>> -> memref<128x64xf32, #tpu.memory_space<vmem>>
      %dma_start3A_246 = arith.constant 0 : i32
      %dma_start3A_247 = tpu.memref_slice %arg5[%dma_start3A_238, %dma_start3A_239, %dma_start3A_246] : memref<2x4x200xi32, #tpu.memory_space<vmem>> -> memref<1x1x128xi32, #tpu.memory_space<vmem>>
      %dma_start3A_248 = tpu.memref_squeeze %dma_start3A_247 : memref<1x1x128xi32, #tpu.memory_space<vmem>> -> memref<128xi32, #tpu.memory_space<vmem>>
      %dma_start3A_249 = arith.constant 0 : i32
      %dma_start3A_250 = arith.constant 0 : i32
      %dma_start3A_251 = tpu.memref_slice %arg3[%dma_start3A_249, %dma_start3A_250] : memref<1000000x64xf32, #tpu.memory_space<hbm>> -> memref<1000000x64xf32, #tpu.memory_space<hbm>>
      tpu.enqueue_indirect_dma source(%dma_start3A_251 : memref<1000000x64xf32, #tpu.memory_space<hbm>>) target(%dma_start3A_245 : memref<128x64xf32, #tpu.memory_space<vmem>>) offsets(%dma_start3A_248 : memref<128xi32, #tpu.memory_space<vmem>>) semaphore(%arg7 : memref<!tpu.dma_semaphore, #tpu.memory_space<semaphore_mem>>)
      %dma_start3A_252 = arith.constant 0 : i32
      %dma_start3A_253 = arith.constant 2 : i32
      %dma_start3A_254 = arith.constant 0 : i32
      %dma_start3A_255 = arith.constant 2 : i32
      %dma_start3A_256 = arith.constant 128 : i32
      %dma_start3A_257 = arith.constant 0 : i32
      %dma_start3A_258 = tpu.memref_slice %arg6[%dma_start3A_254, %dma_start3A_255, %dma_start3A_256, %dma_start3A_257] : memref<2x4x200x64xf32, #tpu.memory_space<vmem>> -> memref<1x1x72x64xf32, #tpu.memory_space<vmem>>
      %dma_start3A_259 = tpu.memref_squeeze %dma_start3A_258 : memref<1x1x72x64xf32, #tpu.memory_space<vmem>> -> memref<72x64xf32, #tpu.memory_space<vmem>>
      %dma_start3A_260 = arith.constant 128 : i32
      %dma_start3A_261 = tpu.memref_slice %arg5[%dma_start3A_252, %dma_start3A_253, %dma_start3A_260] : memref<2x4x200xi32, #tpu.memory_space<vmem>> -> memref<1x1x72xi32, #tpu.memory_space<vmem>>
      %dma_start3A_262 = tpu.memref_squeeze %dma_start3A_261 : memref<1x1x72xi32, #tpu.memory_space<vmem>> -> memref<72xi32, #tpu.memory_space<vmem>>
      %dma_start3A_263 = arith.constant 0 : i32
      %dma_start3A_264 = arith.constant 0 : i32
      %dma_start3A_265 = tpu.memref_slice %arg3[%dma_start3A_263, %dma_start3A_264] : memref<1000000x64xf32, #tpu.memory_space<hbm>> -> memref<1000000x64xf32, #tpu.memory_space<hbm>>
      tpu.enqueue_indirect_dma source(%dma_start3A_265 : memref<1000000x64xf32, #tpu.memory_space<hbm>>) target(%dma_start3A_259 : memref<72x64xf32, #tpu.memory_space<vmem>>) offsets(%dma_start3A_262 : memref<72xi32, #tpu.memory_space<vmem>>) semaphore(%arg7 : memref<!tpu.dma_semaphore, #tpu.memory_space<semaphore_mem>>)
      %dma_start3A_266 = arith.constant 0 : i32
      %dma_start3A_267 = arith.constant 3 : i32
      %dma_start3A_268 = arith.constant 0 : i32
      %dma_start3A_269 = arith.constant 3 : i32
      %dma_start3A_270 = arith.constant 0 : i32
      %dma_start3A_271 = arith.constant 0 : i32
      %dma_start3A_272 = tpu.memref_slice %arg6[%dma_start3A_268, %dma_start3A_269, %dma_start3A_270, %dma_start3A_271] : memref<2x4x200x64xf32, #tpu.memory_space<vmem>> -> memref<1x1x128x64xf32, #tpu.memory_space<vmem>>
      %dma_start3A_273 = tpu.memref_squeeze %dma_start3A_272 : memref<1x1x128x64xf32, #tpu.memory_space<vmem>> -> memref<128x64xf32, #tpu.memory_space<vmem>>
      %dma_start3A_274 = arith.constant 0 : i32
      %dma_start3A_275 = tpu.memref_slice %arg5[%dma_start3A_266, %dma_start3A_267, %dma_start3A_274] : memref<2x4x200xi32, #tpu.memory_space<vmem>> -> memref<1x1x128xi32, #tpu.memory_space<vmem>>
      %dma_start3A_276 = tpu.memref_squeeze %dma_start3A_275 : memref<1x1x128xi32, #tpu.memory_space<vmem>> -> memref<128xi32, #tpu.memory_space<vmem>>
      %dma_start3A_277 = arith.constant 0 : i32
      %dma_start3A_278 = arith.constant 0 : i32
      %dma_start3A_279 = tpu.memref_slice %arg3[%dma_start3A_277, %dma_start3A_278] : memref<1000000x64xf32, #tpu.memory_space<hbm>> -> memref<1000000x64xf32, #tpu.memory_space<hbm>>
      tpu.enqueue_indirect_dma source(%dma_start3A_279 : memref<1000000x64xf32, #tpu.memory_space<hbm>>) target(%dma_start3A_273 : memref<128x64xf32, #tpu.memory_space<vmem>>) offsets(%dma_start3A_276 : memref<128xi32, #tpu.memory_space<vmem>>) semaphore(%arg7 : memref<!tpu.dma_semaphore, #tpu.memory_space<semaphore_mem>>)
      %dma_start3A_280 = arith.constant 0 : i32
      %dma_start3A_281 = arith.constant 3 : i32
      %dma_start3A_282 = arith.constant 0 : i32
      %dma_start3A_283 = arith.constant 3 : i32
      %dma_start3A_284 = arith.constant 128 : i32
      %dma_start3A_285 = arith.constant 0 : i32
      %dma_start3A_286 = tpu.memref_slice %arg6[%dma_start3A_282, %dma_start3A_283, %dma_start3A_284, %dma_start3A_285] : memref<2x4x200x64xf32, #tpu.memory_space<vmem>> -> memref<1x1x72x64xf32, #tpu.memory_space<vmem>>
      %dma_start3A_287 = tpu.memref_squeeze %dma_start3A_286 : memref<1x1x72x64xf32, #tpu.memory_space<vmem>> -> memref<72x64xf32, #tpu.memory_space<vmem>>
      %dma_start3A_288 = arith.constant 128 : i32
      %dma_start3A_289 = tpu.memref_slice %arg5[%dma_start3A_280, %dma_start3A_281, %dma_start3A_288] : memref<2x4x200xi32, #tpu.memory_space<vmem>> -> memref<1x1x72xi32, #tpu.memory_space<vmem>>
      %dma_start3A_290 = tpu.memref_squeeze %dma_start3A_289 : memref<1x1x72xi32, #tpu.memory_space<vmem>> -> memref<72xi32, #tpu.memory_space<vmem>>
      %dma_start3A_291 = arith.constant 0 : i32
      %dma_start3A_292 = arith.constant 0 : i32
      %dma_start3A_293 = tpu.memref_slice %arg3[%dma_start3A_291, %dma_start3A_292] : memref<1000000x64xf32, #tpu.memory_space<hbm>> -> memref<1000000x64xf32, #tpu.memory_space<hbm>>
      tpu.enqueue_indirect_dma source(%dma_start3A_293 : memref<1000000x64xf32, #tpu.memory_space<hbm>>) target(%dma_start3A_287 : memref<72x64xf32, #tpu.memory_space<vmem>>) offsets(%dma_start3A_290 : memref<72xi32, #tpu.memory_space<vmem>>) semaphore(%arg7 : memref<!tpu.dma_semaphore, #tpu.memory_space<semaphore_mem>>)
      %ge3A_294 = arith.constant 1 : i32
      %ge3A_295 = arith.cmpi sge, %scan3A_172, %ge3A_294 : i32
      %convert_element_type3A_296 = arith.extui %ge3A_295 : i1 to i32
      %cond3A_297 = arith.constant 0 : i32
      %cond3A_298 = arith.cmpi ne, %convert_element_type3A_296, %cond3A_297 : i32
      scf.if %cond3A_298 {
        %dma_wait3A_561 = arith.constant 1 : i32
        %dma_wait3A_562 = arith.constant 0 : i32
        %dma_wait3A_563 = arith.constant 1 : i32
        %dma_wait3A_564 = arith.constant 0 : i32
        %dma_wait3A_565 = arith.constant 0 : i32
        %dma_wait3A_566 = arith.constant 0 : i32
        %dma_wait3A_567 = tpu.memref_slice %arg6[%dma_wait3A_563, %dma_wait3A_564, %dma_wait3A_565, %dma_wait3A_566] : memref<2x4x200x64xf32, #tpu.memory_space<vmem>> -> memref<1x1x128x64xf32, #tpu.memory_space<vmem>>
        %dma_wait3A_568 = tpu.memref_squeeze %dma_wait3A_567 : memref<1x1x128x64xf32, #tpu.memory_space<vmem>> -> memref<128x64xf32, #tpu.memory_space<vmem>>
        %dma_wait3A_569 = arith.constant 0 : i32
        %dma_wait3A_570 = tpu.memref_slice %arg5[%dma_wait3A_561, %dma_wait3A_562, %dma_wait3A_569] : memref<2x4x200xi32, #tpu.memory_space<vmem>> -> memref<1x1x128xi32, #tpu.memory_space<vmem>>
        %dma_wait3A_571 = tpu.memref_squeeze %dma_wait3A_570 : memref<1x1x128xi32, #tpu.memory_space<vmem>> -> memref<128xi32, #tpu.memory_space<vmem>>
        %dma_wait3A_572 = arith.constant 0 : i32
        %dma_wait3A_573 = arith.constant 0 : i32
        %dma_wait3A_574 = tpu.memref_slice %arg3[%dma_wait3A_572, %dma_wait3A_573] : memref<1000000x64xf32, #tpu.memory_space<hbm>> -> memref<1000000x64xf32, #tpu.memory_space<hbm>>
        tpu.wait_indirect_dma semaphore(%arg8 : memref<!tpu.dma_semaphore, #tpu.memory_space<semaphore_mem>>) src(%dma_wait3A_574 : memref<1000000x64xf32, #tpu.memory_space<hbm>>) dst(%dma_wait3A_568 : memref<128x64xf32, #tpu.memory_space<vmem>>)
        %dma_wait3A_575 = arith.constant 1 : i32
        %dma_wait3A_576 = arith.constant 0 : i32
        %dma_wait3A_577 = arith.constant 1 : i32
        %dma_wait3A_578 = arith.constant 0 : i32
        %dma_wait3A_579 = arith.constant 128 : i32
        %dma_wait3A_580 = arith.constant 0 : i32
        %dma_wait3A_581 = tpu.memref_slice %arg6[%dma_wait3A_577, %dma_wait3A_578, %dma_wait3A_579, %dma_wait3A_580] : memref<2x4x200x64xf32, #tpu.memory_space<vmem>> -> memref<1x1x72x64xf32, #tpu.memory_space<vmem>>
        %dma_wait3A_582 = tpu.memref_squeeze %dma_wait3A_581 : memref<1x1x72x64xf32, #tpu.memory_space<vmem>> -> memref<72x64xf32, #tpu.memory_space<vmem>>
        %dma_wait3A_583 = arith.constant 128 : i32
        %dma_wait3A_584 = tpu.memref_slice %arg5[%dma_wait3A_575, %dma_wait3A_576, %dma_wait3A_583] : memref<2x4x200xi32, #tpu.memory_space<vmem>> -> memref<1x1x72xi32, #tpu.memory_space<vmem>>
        %dma_wait3A_585 = tpu.memref_squeeze %dma_wait3A_584 : memref<1x1x72xi32, #tpu.memory_space<vmem>> -> memref<72xi32, #tpu.memory_space<vmem>>
        %dma_wait3A_586 = arith.constant 0 : i32
        %dma_wait3A_587 = arith.constant 0 : i32
        %dma_wait3A_588 = tpu.memref_slice %arg3[%dma_wait3A_586, %dma_wait3A_587] : memref<1000000x64xf32, #tpu.memory_space<hbm>> -> memref<1000000x64xf32, #tpu.memory_space<hbm>>
        tpu.wait_indirect_dma semaphore(%arg8 : memref<!tpu.dma_semaphore, #tpu.memory_space<semaphore_mem>>) src(%dma_wait3A_588 : memref<1000000x64xf32, #tpu.memory_space<hbm>>) dst(%dma_wait3A_582 : memref<72x64xf32, #tpu.memory_space<vmem>>)
        %dma_wait3A_589 = arith.constant 1 : i32
        %dma_wait3A_590 = arith.constant 1 : i32
        %dma_wait3A_591 = arith.constant 1 : i32
        %dma_wait3A_592 = arith.constant 1 : i32
        %dma_wait3A_593 = arith.constant 0 : i32
        %dma_wait3A_594 = arith.constant 0 : i32
        %dma_wait3A_595 = tpu.memref_slice %arg6[%dma_wait3A_591, %dma_wait3A_592, %dma_wait3A_593, %dma_wait3A_594] : memref<2x4x200x64xf32, #tpu.memory_space<vmem>> -> memref<1x1x128x64xf32, #tpu.memory_space<vmem>>
        %dma_wait3A_596 = tpu.memref_squeeze %dma_wait3A_595 : memref<1x1x128x64xf32, #tpu.memory_space<vmem>> -> memref<128x64xf32, #tpu.memory_space<vmem>>
        %dma_wait3A_597 = arith.constant 0 : i32
        %dma_wait3A_598 = tpu.memref_slice %arg5[%dma_wait3A_589, %dma_wait3A_590, %dma_wait3A_597] : memref<2x4x200xi32, #tpu.memory_space<vmem>> -> memref<1x1x128xi32, #tpu.memory_space<vmem>>
        %dma_wait3A_599 = tpu.memref_squeeze %dma_wait3A_598 : memref<1x1x128xi32, #tpu.memory_space<vmem>> -> memref<128xi32, #tpu.memory_space<vmem>>
        %dma_wait3A_600 = arith.constant 0 : i32
        %dma_wait3A_601 = arith.constant 0 : i32
        %dma_wait3A_602 = tpu.memref_slice %arg3[%dma_wait3A_600, %dma_wait3A_601] : memref<1000000x64xf32, #tpu.memory_space<hbm>> -> memref<1000000x64xf32, #tpu.memory_space<hbm>>
        tpu.wait_indirect_dma semaphore(%arg8 : memref<!tpu.dma_semaphore, #tpu.memory_space<semaphore_mem>>) src(%dma_wait3A_602 : memref<1000000x64xf32, #tpu.memory_space<hbm>>) dst(%dma_wait3A_596 : memref<128x64xf32, #tpu.memory_space<vmem>>)
        %dma_wait3A_603 = arith.constant 1 : i32
        %dma_wait3A_604 = arith.constant 1 : i32
        %dma_wait3A_605 = arith.constant 1 : i32
        %dma_wait3A_606 = arith.constant 1 : i32
        %dma_wait3A_607 = arith.constant 128 : i32
        %dma_wait3A_608 = arith.constant 0 : i32
        %dma_wait3A_609 = tpu.memref_slice %arg6[%dma_wait3A_605, %dma_wait3A_606, %dma_wait3A_607, %dma_wait3A_608] : memref<2x4x200x64xf32, #tpu.memory_space<vmem>> -> memref<1x1x72x64xf32, #tpu.memory_space<vmem>>
        %dma_wait3A_610 = tpu.memref_squeeze %dma_wait3A_609 : memref<1x1x72x64xf32, #tpu.memory_space<vmem>> -> memref<72x64xf32, #tpu.memory_space<vmem>>
        %dma_wait3A_611 = arith.constant 128 : i32
        %dma_wait3A_612 = tpu.memref_slice %arg5[%dma_wait3A_603, %dma_wait3A_604, %dma_wait3A_611] : memref<2x4x200xi32, #tpu.memory_space<vmem>> -> memref<1x1x72xi32, #tpu.memory_space<vmem>>
        %dma_wait3A_613 = tpu.memref_squeeze %dma_wait3A_612 : memref<1x1x72xi32, #tpu.memory_space<vmem>> -> memref<72xi32, #tpu.memory_space<vmem>>
        %dma_wait3A_614 = arith.constant 0 : i32
        %dma_wait3A_615 = arith.constant 0 : i32
        %dma_wait3A_616 = tpu.memref_slice %arg3[%dma_wait3A_614, %dma_wait3A_615] : memref<1000000x64xf32, #tpu.memory_space<hbm>> -> memref<1000000x64xf32, #tpu.memory_space<hbm>>
        tpu.wait_indirect_dma semaphore(%arg8 : memref<!tpu.dma_semaphore, #tpu.memory_space<semaphore_mem>>) src(%dma_wait3A_616 : memref<1000000x64xf32, #tpu.memory_space<hbm>>) dst(%dma_wait3A_610 : memref<72x64xf32, #tpu.memory_space<vmem>>)
        %dma_wait3A_617 = arith.constant 1 : i32
        %dma_wait3A_618 = arith.constant 2 : i32
        %dma_wait3A_619 = arith.constant 1 : i32
        %dma_wait3A_620 = arith.constant 2 : i32
        %dma_wait3A_621 = arith.constant 0 : i32
        %dma_wait3A_622 = arith.constant 0 : i32
        %dma_wait3A_623 = tpu.memref_slice %arg6[%dma_wait3A_619, %dma_wait3A_620, %dma_wait3A_621, %dma_wait3A_622] : memref<2x4x200x64xf32, #tpu.memory_space<vmem>> -> memref<1x1x128x64xf32, #tpu.memory_space<vmem>>
        %dma_wait3A_624 = tpu.memref_squeeze %dma_wait3A_623 : memref<1x1x128x64xf32, #tpu.memory_space<vmem>> -> memref<128x64xf32, #tpu.memory_space<vmem>>
        %dma_wait3A_625 = arith.constant 0 : i32
        %dma_wait3A_626 = tpu.memref_slice %arg5[%dma_wait3A_617, %dma_wait3A_618, %dma_wait3A_625] : memref<2x4x200xi32, #tpu.memory_space<vmem>> -> memref<1x1x128xi32, #tpu.memory_space<vmem>>
        %dma_wait3A_627 = tpu.memref_squeeze %dma_wait3A_626 : memref<1x1x128xi32, #tpu.memory_space<vmem>> -> memref<128xi32, #tpu.memory_space<vmem>>
        %dma_wait3A_628 = arith.constant 0 : i32
        %dma_wait3A_629 = arith.constant 0 : i32
        %dma_wait3A_630 = tpu.memref_slice %arg3[%dma_wait3A_628, %dma_wait3A_629] : memref<1000000x64xf32, #tpu.memory_space<hbm>> -> memref<1000000x64xf32, #tpu.memory_space<hbm>>
        tpu.wait_indirect_dma semaphore(%arg8 : memref<!tpu.dma_semaphore, #tpu.memory_space<semaphore_mem>>) src(%dma_wait3A_630 : memref<1000000x64xf32, #tpu.memory_space<hbm>>) dst(%dma_wait3A_624 : memref<128x64xf32, #tpu.memory_space<vmem>>)
        %dma_wait3A_631 = arith.constant 1 : i32
        %dma_wait3A_632 = arith.constant 2 : i32
        %dma_wait3A_633 = arith.constant 1 : i32
        %dma_wait3A_634 = arith.constant 2 : i32
        %dma_wait3A_635 = arith.constant 128 : i32
        %dma_wait3A_636 = arith.constant 0 : i32
        %dma_wait3A_637 = tpu.memref_slice %arg6[%dma_wait3A_633, %dma_wait3A_634, %dma_wait3A_635, %dma_wait3A_636] : memref<2x4x200x64xf32, #tpu.memory_space<vmem>> -> memref<1x1x72x64xf32, #tpu.memory_space<vmem>>
        %dma_wait3A_638 = tpu.memref_squeeze %dma_wait3A_637 : memref<1x1x72x64xf32, #tpu.memory_space<vmem>> -> memref<72x64xf32, #tpu.memory_space<vmem>>
        %dma_wait3A_639 = arith.constant 128 : i32
        %dma_wait3A_640 = tpu.memref_slice %arg5[%dma_wait3A_631, %dma_wait3A_632, %dma_wait3A_639] : memref<2x4x200xi32, #tpu.memory_space<vmem>> -> memref<1x1x72xi32, #tpu.memory_space<vmem>>
        %dma_wait3A_641 = tpu.memref_squeeze %dma_wait3A_640 : memref<1x1x72xi32, #tpu.memory_space<vmem>> -> memref<72xi32, #tpu.memory_space<vmem>>
        %dma_wait3A_642 = arith.constant 0 : i32
        %dma_wait3A_643 = arith.constant 0 : i32
        %dma_wait3A_644 = tpu.memref_slice %arg3[%dma_wait3A_642, %dma_wait3A_643] : memref<1000000x64xf32, #tpu.memory_space<hbm>> -> memref<1000000x64xf32, #tpu.memory_space<hbm>>
        tpu.wait_indirect_dma semaphore(%arg8 : memref<!tpu.dma_semaphore, #tpu.memory_space<semaphore_mem>>) src(%dma_wait3A_644 : memref<1000000x64xf32, #tpu.memory_space<hbm>>) dst(%dma_wait3A_638 : memref<72x64xf32, #tpu.memory_space<vmem>>)
        %dma_wait3A_645 = arith.constant 1 : i32
        %dma_wait3A_646 = arith.constant 3 : i32
        %dma_wait3A_647 = arith.constant 1 : i32
        %dma_wait3A_648 = arith.constant 3 : i32
        %dma_wait3A_649 = arith.constant 0 : i32
        %dma_wait3A_650 = arith.constant 0 : i32
        %dma_wait3A_651 = tpu.memref_slice %arg6[%dma_wait3A_647, %dma_wait3A_648, %dma_wait3A_649, %dma_wait3A_650] : memref<2x4x200x64xf32, #tpu.memory_space<vmem>> -> memref<1x1x128x64xf32, #tpu.memory_space<vmem>>
        %dma_wait3A_652 = tpu.memref_squeeze %dma_wait3A_651 : memref<1x1x128x64xf32, #tpu.memory_space<vmem>> -> memref<128x64xf32, #tpu.memory_space<vmem>>
        %dma_wait3A_653 = arith.constant 0 : i32
        %dma_wait3A_654 = tpu.memref_slice %arg5[%dma_wait3A_645, %dma_wait3A_646, %dma_wait3A_653] : memref<2x4x200xi32, #tpu.memory_space<vmem>> -> memref<1x1x128xi32, #tpu.memory_space<vmem>>
        %dma_wait3A_655 = tpu.memref_squeeze %dma_wait3A_654 : memref<1x1x128xi32, #tpu.memory_space<vmem>> -> memref<128xi32, #tpu.memory_space<vmem>>
        %dma_wait3A_656 = arith.constant 0 : i32
        %dma_wait3A_657 = arith.constant 0 : i32
        %dma_wait3A_658 = tpu.memref_slice %arg3[%dma_wait3A_656, %dma_wait3A_657] : memref<1000000x64xf32, #tpu.memory_space<hbm>> -> memref<1000000x64xf32, #tpu.memory_space<hbm>>
        tpu.wait_indirect_dma semaphore(%arg8 : memref<!tpu.dma_semaphore, #tpu.memory_space<semaphore_mem>>) src(%dma_wait3A_658 : memref<1000000x64xf32, #tpu.memory_space<hbm>>) dst(%dma_wait3A_652 : memref<128x64xf32, #tpu.memory_space<vmem>>)
        %dma_wait3A_659 = arith.constant 1 : i32
        %dma_wait3A_660 = arith.constant 3 : i32
        %dma_wait3A_661 = arith.constant 1 : i32
        %dma_wait3A_662 = arith.constant 3 : i32
        %dma_wait3A_663 = arith.constant 128 : i32
        %dma_wait3A_664 = arith.constant 0 : i32
        %dma_wait3A_665 = tpu.memref_slice %arg6[%dma_wait3A_661, %dma_wait3A_662, %dma_wait3A_663, %dma_wait3A_664] : memref<2x4x200x64xf32, #tpu.memory_space<vmem>> -> memref<1x1x72x64xf32, #tpu.memory_space<vmem>>
        %dma_wait3A_666 = tpu.memref_squeeze %dma_wait3A_665 : memref<1x1x72x64xf32, #tpu.memory_space<vmem>> -> memref<72x64xf32, #tpu.memory_space<vmem>>
        %dma_wait3A_667 = arith.constant 128 : i32
        %dma_wait3A_668 = tpu.memref_slice %arg5[%dma_wait3A_659, %dma_wait3A_660, %dma_wait3A_667] : memref<2x4x200xi32, #tpu.memory_space<vmem>> -> memref<1x1x72xi32, #tpu.memory_space<vmem>>
        %dma_wait3A_669 = tpu.memref_squeeze %dma_wait3A_668 : memref<1x1x72xi32, #tpu.memory_space<vmem>> -> memref<72xi32, #tpu.memory_space<vmem>>
        %dma_wait3A_670 = arith.constant 0 : i32
        %dma_wait3A_671 = arith.constant 0 : i32
        %dma_wait3A_672 = tpu.memref_slice %arg3[%dma_wait3A_670, %dma_wait3A_671] : memref<1000000x64xf32, #tpu.memory_space<hbm>> -> memref<1000000x64xf32, #tpu.memory_space<hbm>>
        tpu.wait_indirect_dma semaphore(%arg8 : memref<!tpu.dma_semaphore, #tpu.memory_space<semaphore_mem>>) src(%dma_wait3A_672 : memref<1000000x64xf32, #tpu.memory_space<hbm>>) dst(%dma_wait3A_666 : memref<72x64xf32, #tpu.memory_space<vmem>>)
        %sub3A_673 = arith.constant 4 : i32
        %sub3A_674 = arith.subi %add3A_179, %sub3A_673 : i32
        %dma_start3A_675 = arith.constant 1 : i32
        %dma_start3A_676 = arith.constant 0 : i32
        %dma_start3A_677 = arith.constant 0 : i32
        %dma_start3A_678 = arith.constant 0 : i32
        %dma_start3A_679 = tpu.memref_slice %arg6[%dma_start3A_675, %dma_start3A_676, %dma_start3A_677, %dma_start3A_678] : memref<2x4x200x64xf32, #tpu.memory_space<vmem>> -> memref<1x4x200x64xf32, #tpu.memory_space<vmem>>
        %dma_start3A_680 = tpu.memref_squeeze %dma_start3A_679 : memref<1x4x200x64xf32, #tpu.memory_space<vmem>> -> memref<4x200x64xf32, #tpu.memory_space<vmem>>
        %dma_start3A_681 = arith.constant 0 : i32
        %dma_start3A_682 = arith.constant 0 : i32
        %dma_start3A_683 = tpu.memref_slice %arg4[%sub3A_674, %dma_start3A_681, %dma_start3A_682] : memref<4096x200x64xf32, #tpu.memory_space<hbm>> -> memref<4x200x64xf32, #tpu.memory_space<hbm>>
        %dma_start3A_684 = arith.constant 0 : i32
        %dma_start3A_685 = arith.constant 0 : i32
        %dma_start3A_686 = tpu.memref_slice %arg4[%sub3A_674, %dma_start3A_684, %dma_start3A_685] : memref<4096x200x64xf32, #tpu.memory_space<hbm>> -> memref<4x200x64xf32, #tpu.memory_space<hbm>>
        %dma_start3A_687 = arith.constant 0 : i32
        %dma_start3A_688 = arith.constant 0 : i32
        %dma_start3A_689 = arith.constant 0 : i32
        %dma_start3A_690 = tpu.memref_slice %arg6[%dma_start3A_675, %dma_start3A_687, %dma_start3A_688, %dma_start3A_689] : memref<2x4x200x64xf32, #tpu.memory_space<vmem>> -> memref<1x4x200x64xf32, #tpu.memory_space<vmem>>
        %dma_start3A_691 = tpu.memref_squeeze %dma_start3A_690 : memref<1x4x200x64xf32, #tpu.memory_space<vmem>> -> memref<4x200x64xf32, #tpu.memory_space<vmem>>
        tpu.enqueue_dma source(%dma_start3A_691 : memref<4x200x64xf32, #tpu.memory_space<vmem>>) target(%dma_start3A_686 : memref<4x200x64xf32, #tpu.memory_space<hbm>>) target_semaphore(%arg10 : memref<!tpu.dma_semaphore, #tpu.memory_space<semaphore_mem>>)
      } else {
      }
      %add3A_299 = arith.constant 4 : i32
      %add3A_300 = arith.addi %add3A_179, %add3A_299 : i32
      %run_scoped3A_301 = arith.constant 1 : i32
      "tpu.region"() ({
        %run_scoped3A_561 = tpu.sem_alloc : memref<!tpu.dma_semaphore, #tpu.memory_space<semaphore_mem>>
        %dma_start3A_562 = arith.constant 0 : i32
        %dma_start3A_563 = arith.constant 0 : i32
        %dma_start3A_564 = tpu.memref_slice %arg5[%run_scoped3A_301, %dma_start3A_562, %dma_start3A_563] : memref<2x4x200xi32, #tpu.memory_space<vmem>> -> memref<1x4x200xi32, #tpu.memory_space<vmem>>
        %dma_start3A_565 = tpu.memref_squeeze %dma_start3A_564 : memref<1x4x200xi32, #tpu.memory_space<vmem>> -> memref<4x200xi32, #tpu.memory_space<vmem>>
        %dma_start3A_566 = arith.constant 0 : i32
        %dma_start3A_567 = tpu.memref_slice %arg2[%add3A_300, %dma_start3A_566] : memref<4096x200xi32, #tpu.memory_space<hbm>> -> memref<4x200xi32, #tpu.memory_space<hbm>>
        %dma_start3A_568 = arith.constant 0 : i32
        %dma_start3A_569 = arith.constant 0 : i32
        %dma_start3A_570 = tpu.memref_slice %arg5[%run_scoped3A_301, %dma_start3A_568, %dma_start3A_569] : memref<2x4x200xi32, #tpu.memory_space<vmem>> -> memref<1x4x200xi32, #tpu.memory_space<vmem>>
        %dma_start3A_571 = tpu.memref_squeeze %dma_start3A_570 : memref<1x4x200xi32, #tpu.memory_space<vmem>> -> memref<4x200xi32, #tpu.memory_space<vmem>>
        %dma_start3A_572 = arith.constant 0 : i32
        %dma_start3A_573 = tpu.memref_slice %arg2[%add3A_300, %dma_start3A_572] : memref<4096x200xi32, #tpu.memory_space<hbm>> -> memref<4x200xi32, #tpu.memory_space<hbm>>
        tpu.enqueue_dma source(%dma_start3A_573 : memref<4x200xi32, #tpu.memory_space<hbm>>) target(%dma_start3A_571 : memref<4x200xi32, #tpu.memory_space<vmem>>) target_semaphore(%run_scoped3A_561 : memref<!tpu.dma_semaphore, #tpu.memory_space<semaphore_mem>>)
        %dma_wait3A_574 = arith.constant 0 : i32
        %dma_wait3A_575 = arith.constant 0 : i32
        %dma_wait3A_576 = tpu.memref_slice %arg5[%run_scoped3A_301, %dma_wait3A_574, %dma_wait3A_575] : memref<2x4x200xi32, #tpu.memory_space<vmem>> -> memref<1x4x200xi32, #tpu.memory_space<vmem>>
        %dma_wait3A_577 = tpu.memref_squeeze %dma_wait3A_576 : memref<1x4x200xi32, #tpu.memory_space<vmem>> -> memref<4x200xi32, #tpu.memory_space<vmem>>
        %dma_wait3A_578 = arith.constant 0 : i32
        %dma_wait3A_579 = tpu.memref_slice %arg2[%add3A_300, %dma_wait3A_578] : memref<4096x200xi32, #tpu.memory_space<hbm>> -> memref<4x200xi32, #tpu.memory_space<hbm>>
        %dma_wait3A_580 = arith.constant 0 : i32
        %dma_wait3A_581 = arith.constant 0 : i32
        %dma_wait3A_582 = tpu.memref_slice %arg5[%run_scoped3A_301, %dma_wait3A_580, %dma_wait3A_581] : memref<2x4x200xi32, #tpu.memory_space<vmem>> -> memref<1x4x200xi32, #tpu.memory_space<vmem>>
        %dma_wait3A_583 = tpu.memref_squeeze %dma_wait3A_582 : memref<1x4x200xi32, #tpu.memory_space<vmem>> -> memref<4x200xi32, #tpu.memory_space<vmem>>
        %dma_wait3A_584 = arith.constant 0 : i32
        %dma_wait3A_585 = tpu.memref_slice %arg2[%add3A_300, %dma_wait3A_584] : memref<4096x200xi32, #tpu.memory_space<hbm>> -> memref<4x200xi32, #tpu.memory_space<hbm>>
        tpu.wait_dma2 semaphore(%run_scoped3A_561 : memref<!tpu.dma_semaphore, #tpu.memory_space<semaphore_mem>>) src(%dma_wait3A_585 : memref<4x200xi32, #tpu.memory_space<hbm>>) dst(%dma_wait3A_583 : memref<4x200xi32, #tpu.memory_space<vmem>>)
        tpu.yield
      }) : () -> ()
      %mul3A_302 = arith.constant 2 : i32
      %mul3A_303 = arith.muli %scan3A_172, %mul3A_302 : i32
      %add3A_304 = arith.constant 1 : i32
      %add3A_305 = arith.addi %mul3A_303, %add3A_304 : i32
      %mul3A_306 = arith.constant 4 : i32
      %mul3A_307 = arith.muli %add3A_305, %mul3A_306 : i32
      %add3A_308 = arith.addi %mul3A_2, %mul3A_307 : i32
      %ge3A_309 = arith.constant 1 : i32
      %ge3A_310 = arith.cmpi sge, %scan3A_172, %ge3A_309 : i32
      %convert_element_type3A_311 = arith.extui %ge3A_310 : i1 to i32
      %cond3A_312 = arith.constant 0 : i32
      %cond3A_313 = arith.cmpi ne, %convert_element_type3A_311, %cond3A_312 : i32
      scf.if %cond3A_313 {
        %sub3A_561 = arith.constant 8 : i32
        %sub3A_562 = arith.subi %add3A_308, %sub3A_561 : i32
        %dma_wait3A_563 = arith.constant 1 : i32
        %dma_wait3A_564 = arith.constant 0 : i32
        %dma_wait3A_565 = arith.constant 0 : i32
        %dma_wait3A_566 = arith.constant 0 : i32
        %dma_wait3A_567 = tpu.memref_slice %arg6[%dma_wait3A_563, %dma_wait3A_564, %dma_wait3A_565, %dma_wait3A_566] : memref<2x4x200x64xf32, #tpu.memory_space<vmem>> -> memref<1x4x200x64xf32, #tpu.memory_space<vmem>>
        %dma_wait3A_568 = tpu.memref_squeeze %dma_wait3A_567 : memref<1x4x200x64xf32, #tpu.memory_space<vmem>> -> memref<4x200x64xf32, #tpu.memory_space<vmem>>
        %dma_wait3A_569 = arith.constant 0 : i32
        %dma_wait3A_570 = arith.constant 0 : i32
        %dma_wait3A_571 = tpu.memref_slice %arg4[%sub3A_562, %dma_wait3A_569, %dma_wait3A_570] : memref<4096x200x64xf32, #tpu.memory_space<hbm>> -> memref<4x200x64xf32, #tpu.memory_space<hbm>>
        %dma_wait3A_572 = arith.constant 0 : i32
        %dma_wait3A_573 = arith.constant 0 : i32
        %dma_wait3A_574 = tpu.memref_slice %arg4[%sub3A_562, %dma_wait3A_572, %dma_wait3A_573] : memref<4096x200x64xf32, #tpu.memory_space<hbm>> -> memref<4x200x64xf32, #tpu.memory_space<hbm>>
        %dma_wait3A_575 = arith.constant 0 : i32
        %dma_wait3A_576 = arith.constant 0 : i32
        %dma_wait3A_577 = arith.constant 0 : i32
        %dma_wait3A_578 = tpu.memref_slice %arg6[%dma_wait3A_563, %dma_wait3A_575, %dma_wait3A_576, %dma_wait3A_577] : memref<2x4x200x64xf32, #tpu.memory_space<vmem>> -> memref<1x4x200x64xf32, #tpu.memory_space<vmem>>
        %dma_wait3A_579 = tpu.memref_squeeze %dma_wait3A_578 : memref<1x4x200x64xf32, #tpu.memory_space<vmem>> -> memref<4x200x64xf32, #tpu.memory_space<vmem>>
        tpu.wait_dma2 semaphore(%arg10 : memref<!tpu.dma_semaphore, #tpu.memory_space<semaphore_mem>>) src(%dma_wait3A_579 : memref<4x200x64xf32, #tpu.memory_space<vmem>>) dst(%dma_wait3A_574 : memref<4x200x64xf32, #tpu.memory_space<hbm>>)
      } else {
      }
      %dma_start3A_314 = arith.constant 1 : i32
      %dma_start3A_315 = arith.constant 0 : i32
      %dma_start3A_316 = arith.constant 1 : i32
      %dma_start3A_317 = arith.constant 0 : i32
      %dma_start3A_318 = arith.constant 0 : i32
      %dma_start3A_319 = arith.constant 0 : i32
      %dma_start3A_320 = tpu.memref_slice %arg6[%dma_start3A_316, %dma_start3A_317, %dma_start3A_318, %dma_start3A_319] : memref<2x4x200x64xf32, #tpu.memory_space<vmem>> -> memref<1x1x128x64xf32, #tpu.memory_space<vmem>>
      %dma_start3A_321 = tpu.memref_squeeze %dma_start3A_320 : memref<1x1x128x64xf32, #tpu.memory_space<vmem>> -> memref<128x64xf32, #tpu.memory_space<vmem>>
      %dma_start3A_322 = arith.constant 0 : i32
      %dma_start3A_323 = tpu.memref_slice %arg5[%dma_start3A_314, %dma_start3A_315, %dma_start3A_322] : memref<2x4x200xi32, #tpu.memory_space<vmem>> -> memref<1x1x128xi32, #tpu.memory_space<vmem>>
      %dma_start3A_324 = tpu.memref_squeeze %dma_start3A_323 : memref<1x1x128xi32, #tpu.memory_space<vmem>> -> memref<128xi32, #tpu.memory_space<vmem>>
      %dma_start3A_325 = arith.constant 0 : i32
      %dma_start3A_326 = arith.constant 0 : i32
      %dma_start3A_327 = tpu.memref_slice %arg3[%dma_start3A_325, %dma_start3A_326] : memref<1000000x64xf32, #tpu.memory_space<hbm>> -> memref<1000000x64xf32, #tpu.memory_space<hbm>>
      tpu.enqueue_indirect_dma source(%dma_start3A_327 : memref<1000000x64xf32, #tpu.memory_space<hbm>>) target(%dma_start3A_321 : memref<128x64xf32, #tpu.memory_space<vmem>>) offsets(%dma_start3A_324 : memref<128xi32, #tpu.memory_space<vmem>>) semaphore(%arg8 : memref<!tpu.dma_semaphore, #tpu.memory_space<semaphore_mem>>)
      %dma_start3A_328 = arith.constant 1 : i32
      %dma_start3A_329 = arith.constant 0 : i32
      %dma_start3A_330 = arith.constant 1 : i32
      %dma_start3A_331 = arith.constant 0 : i32
      %dma_start3A_332 = arith.constant 128 : i32
      %dma_start3A_333 = arith.constant 0 : i32
      %dma_start3A_334 = tpu.memref_slice %arg6[%dma_start3A_330, %dma_start3A_331, %dma_start3A_332, %dma_start3A_333] : memref<2x4x200x64xf32, #tpu.memory_space<vmem>> -> memref<1x1x72x64xf32, #tpu.memory_space<vmem>>
      %dma_start3A_335 = tpu.memref_squeeze %dma_start3A_334 : memref<1x1x72x64xf32, #tpu.memory_space<vmem>> -> memref<72x64xf32, #tpu.memory_space<vmem>>
      %dma_start3A_336 = arith.constant 128 : i32
      %dma_start3A_337 = tpu.memref_slice %arg5[%dma_start3A_328, %dma_start3A_329, %dma_start3A_336] : memref<2x4x200xi32, #tpu.memory_space<vmem>> -> memref<1x1x72xi32, #tpu.memory_space<vmem>>
      %dma_start3A_338 = tpu.memref_squeeze %dma_start3A_337 : memref<1x1x72xi32, #tpu.memory_space<vmem>> -> memref<72xi32, #tpu.memory_space<vmem>>
      %dma_start3A_339 = arith.constant 0 : i32
      %dma_start3A_340 = arith.constant 0 : i32
      %dma_start3A_341 = tpu.memref_slice %arg3[%dma_start3A_339, %dma_start3A_340] : memref<1000000x64xf32, #tpu.memory_space<hbm>> -> memref<1000000x64xf32, #tpu.memory_space<hbm>>
      tpu.enqueue_indirect_dma source(%dma_start3A_341 : memref<1000000x64xf32, #tpu.memory_space<hbm>>) target(%dma_start3A_335 : memref<72x64xf32, #tpu.memory_space<vmem>>) offsets(%dma_start3A_338 : memref<72xi32, #tpu.memory_space<vmem>>) semaphore(%arg8 : memref<!tpu.dma_semaphore, #tpu.memory_space<semaphore_mem>>)
      %dma_start3A_342 = arith.constant 1 : i32
      %dma_start3A_343 = arith.constant 1 : i32
      %dma_start3A_344 = arith.constant 1 : i32
      %dma_start3A_345 = arith.constant 1 : i32
      %dma_start3A_346 = arith.constant 0 : i32
      %dma_start3A_347 = arith.constant 0 : i32
      %dma_start3A_348 = tpu.memref_slice %arg6[%dma_start3A_344, %dma_start3A_345, %dma_start3A_346, %dma_start3A_347] : memref<2x4x200x64xf32, #tpu.memory_space<vmem>> -> memref<1x1x128x64xf32, #tpu.memory_space<vmem>>
      %dma_start3A_349 = tpu.memref_squeeze %dma_start3A_348 : memref<1x1x128x64xf32, #tpu.memory_space<vmem>> -> memref<128x64xf32, #tpu.memory_space<vmem>>
      %dma_start3A_350 = arith.constant 0 : i32
      %dma_start3A_351 = tpu.memref_slice %arg5[%dma_start3A_342, %dma_start3A_343, %dma_start3A_350] : memref<2x4x200xi32, #tpu.memory_space<vmem>> -> memref<1x1x128xi32, #tpu.memory_space<vmem>>
      %dma_start3A_352 = tpu.memref_squeeze %dma_start3A_351 : memref<1x1x128xi32, #tpu.memory_space<vmem>> -> memref<128xi32, #tpu.memory_space<vmem>>
      %dma_start3A_353 = arith.constant 0 : i32
      %dma_start3A_354 = arith.constant 0 : i32
      %dma_start3A_355 = tpu.memref_slice %arg3[%dma_start3A_353, %dma_start3A_354] : memref<1000000x64xf32, #tpu.memory_space<hbm>> -> memref<1000000x64xf32, #tpu.memory_space<hbm>>
      tpu.enqueue_indirect_dma source(%dma_start3A_355 : memref<1000000x64xf32, #tpu.memory_space<hbm>>) target(%dma_start3A_349 : memref<128x64xf32, #tpu.memory_space<vmem>>) offsets(%dma_start3A_352 : memref<128xi32, #tpu.memory_space<vmem>>) semaphore(%arg8 : memref<!tpu.dma_semaphore, #tpu.memory_space<semaphore_mem>>)
      %dma_start3A_356 = arith.constant 1 : i32
      %dma_start3A_357 = arith.constant 1 : i32
      %dma_start3A_358 = arith.constant 1 : i32
      %dma_start3A_359 = arith.constant 1 : i32
      %dma_start3A_360 = arith.constant 128 : i32
      %dma_start3A_361 = arith.constant 0 : i32
      %dma_start3A_362 = tpu.memref_slice %arg6[%dma_start3A_358, %dma_start3A_359, %dma_start3A_360, %dma_start3A_361] : memref<2x4x200x64xf32, #tpu.memory_space<vmem>> -> memref<1x1x72x64xf32, #tpu.memory_space<vmem>>
      %dma_start3A_363 = tpu.memref_squeeze %dma_start3A_362 : memref<1x1x72x64xf32, #tpu.memory_space<vmem>> -> memref<72x64xf32, #tpu.memory_space<vmem>>
      %dma_start3A_364 = arith.constant 128 : i32
      %dma_start3A_365 = tpu.memref_slice %arg5[%dma_start3A_356, %dma_start3A_357, %dma_start3A_364] : memref<2x4x200xi32, #tpu.memory_space<vmem>> -> memref<1x1x72xi32, #tpu.memory_space<vmem>>
      %dma_start3A_366 = tpu.memref_squeeze %dma_start3A_365 : memref<1x1x72xi32, #tpu.memory_space<vmem>> -> memref<72xi32, #tpu.memory_space<vmem>>
      %dma_start3A_367 = arith.constant 0 : i32
      %dma_start3A_368 = arith.constant 0 : i32
      %dma_start3A_369 = tpu.memref_slice %arg3[%dma_start3A_367, %dma_start3A_368] : memref<1000000x64xf32, #tpu.memory_space<hbm>> -> memref<1000000x64xf32, #tpu.memory_space<hbm>>
      tpu.enqueue_indirect_dma source(%dma_start3A_369 : memref<1000000x64xf32, #tpu.memory_space<hbm>>) target(%dma_start3A_363 : memref<72x64xf32, #tpu.memory_space<vmem>>) offsets(%dma_start3A_366 : memref<72xi32, #tpu.memory_space<vmem>>) semaphore(%arg8 : memref<!tpu.dma_semaphore, #tpu.memory_space<semaphore_mem>>)
      %dma_start3A_370 = arith.constant 1 : i32
      %dma_start3A_371 = arith.constant 2 : i32
      %dma_start3A_372 = arith.constant 1 : i32
      %dma_start3A_373 = arith.constant 2 : i32
      %dma_start3A_374 = arith.constant 0 : i32
      %dma_start3A_375 = arith.constant 0 : i32
      %dma_start3A_376 = tpu.memref_slice %arg6[%dma_start3A_372, %dma_start3A_373, %dma_start3A_374, %dma_start3A_375] : memref<2x4x200x64xf32, #tpu.memory_space<vmem>> -> memref<1x1x128x64xf32, #tpu.memory_space<vmem>>
      %dma_start3A_377 = tpu.memref_squeeze %dma_start3A_376 : memref<1x1x128x64xf32, #tpu.memory_space<vmem>> -> memref<128x64xf32, #tpu.memory_space<vmem>>
      %dma_start3A_378 = arith.constant 0 : i32
      %dma_start3A_379 = tpu.memref_slice %arg5[%dma_start3A_370, %dma_start3A_371, %dma_start3A_378] : memref<2x4x200xi32, #tpu.memory_space<vmem>> -> memref<1x1x128xi32, #tpu.memory_space<vmem>>
      %dma_start3A_380 = tpu.memref_squeeze %dma_start3A_379 : memref<1x1x128xi32, #tpu.memory_space<vmem>> -> memref<128xi32, #tpu.memory_space<vmem>>
      %dma_start3A_381 = arith.constant 0 : i32
      %dma_start3A_382 = arith.constant 0 : i32
      %dma_start3A_383 = tpu.memref_slice %arg3[%dma_start3A_381, %dma_start3A_382] : memref<1000000x64xf32, #tpu.memory_space<hbm>> -> memref<1000000x64xf32, #tpu.memory_space<hbm>>
      tpu.enqueue_indirect_dma source(%dma_start3A_383 : memref<1000000x64xf32, #tpu.memory_space<hbm>>) target(%dma_start3A_377 : memref<128x64xf32, #tpu.memory_space<vmem>>) offsets(%dma_start3A_380 : memref<128xi32, #tpu.memory_space<vmem>>) semaphore(%arg8 : memref<!tpu.dma_semaphore, #tpu.memory_space<semaphore_mem>>)
      %dma_start3A_384 = arith.constant 1 : i32
      %dma_start3A_385 = arith.constant 2 : i32
      %dma_start3A_386 = arith.constant 1 : i32
      %dma_start3A_387 = arith.constant 2 : i32
      %dma_start3A_388 = arith.constant 128 : i32
      %dma_start3A_389 = arith.constant 0 : i32
      %dma_start3A_390 = tpu.memref_slice %arg6[%dma_start3A_386, %dma_start3A_387, %dma_start3A_388, %dma_start3A_389] : memref<2x4x200x64xf32, #tpu.memory_space<vmem>> -> memref<1x1x72x64xf32, #tpu.memory_space<vmem>>
      %dma_start3A_391 = tpu.memref_squeeze %dma_start3A_390 : memref<1x1x72x64xf32, #tpu.memory_space<vmem>> -> memref<72x64xf32, #tpu.memory_space<vmem>>
      %dma_start3A_392 = arith.constant 128 : i32
      %dma_start3A_393 = tpu.memref_slice %arg5[%dma_start3A_384, %dma_start3A_385, %dma_start3A_392] : memref<2x4x200xi32, #tpu.memory_space<vmem>> -> memref<1x1x72xi32, #tpu.memory_space<vmem>>
      %dma_start3A_394 = tpu.memref_squeeze %dma_start3A_393 : memref<1x1x72xi32, #tpu.memory_space<vmem>> -> memref<72xi32, #tpu.memory_space<vmem>>
      %dma_start3A_395 = arith.constant 0 : i32
      %dma_start3A_396 = arith.constant 0 : i32
      %dma_start3A_397 = tpu.memref_slice %arg3[%dma_start3A_395, %dma_start3A_396] : memref<1000000x64xf32, #tpu.memory_space<hbm>> -> memref<1000000x64xf32, #tpu.memory_space<hbm>>
      tpu.enqueue_indirect_dma source(%dma_start3A_397 : memref<1000000x64xf32, #tpu.memory_space<hbm>>) target(%dma_start3A_391 : memref<72x64xf32, #tpu.memory_space<vmem>>) offsets(%dma_start3A_394 : memref<72xi32, #tpu.memory_space<vmem>>) semaphore(%arg8 : memref<!tpu.dma_semaphore, #tpu.memory_space<semaphore_mem>>)
      %dma_start3A_398 = arith.constant 1 : i32
      %dma_start3A_399 = arith.constant 3 : i32
      %dma_start3A_400 = arith.constant 1 : i32
      %dma_start3A_401 = arith.constant 3 : i32
      %dma_start3A_402 = arith.constant 0 : i32
      %dma_start3A_403 = arith.constant 0 : i32
      %dma_start3A_404 = tpu.memref_slice %arg6[%dma_start3A_400, %dma_start3A_401, %dma_start3A_402, %dma_start3A_403] : memref<2x4x200x64xf32, #tpu.memory_space<vmem>> -> memref<1x1x128x64xf32, #tpu.memory_space<vmem>>
      %dma_start3A_405 = tpu.memref_squeeze %dma_start3A_404 : memref<1x1x128x64xf32, #tpu.memory_space<vmem>> -> memref<128x64xf32, #tpu.memory_space<vmem>>
      %dma_start3A_406 = arith.constant 0 : i32
      %dma_start3A_407 = tpu.memref_slice %arg5[%dma_start3A_398, %dma_start3A_399, %dma_start3A_406] : memref<2x4x200xi32, #tpu.memory_space<vmem>> -> memref<1x1x128xi32, #tpu.memory_space<vmem>>
      %dma_start3A_408 = tpu.memref_squeeze %dma_start3A_407 : memref<1x1x128xi32, #tpu.memory_space<vmem>> -> memref<128xi32, #tpu.memory_space<vmem>>
      %dma_start3A_409 = arith.constant 0 : i32
      %dma_start3A_410 = arith.constant 0 : i32
      %dma_start3A_411 = tpu.memref_slice %arg3[%dma_start3A_409, %dma_start3A_410] : memref<1000000x64xf32, #tpu.memory_space<hbm>> -> memref<1000000x64xf32, #tpu.memory_space<hbm>>
      tpu.enqueue_indirect_dma source(%dma_start3A_411 : memref<1000000x64xf32, #tpu.memory_space<hbm>>) target(%dma_start3A_405 : memref<128x64xf32, #tpu.memory_space<vmem>>) offsets(%dma_start3A_408 : memref<128xi32, #tpu.memory_space<vmem>>) semaphore(%arg8 : memref<!tpu.dma_semaphore, #tpu.memory_space<semaphore_mem>>)
      %dma_start3A_412 = arith.constant 1 : i32
      %dma_start3A_413 = arith.constant 3 : i32
      %dma_start3A_414 = arith.constant 1 : i32
      %dma_start3A_415 = arith.constant 3 : i32
      %dma_start3A_416 = arith.constant 128 : i32
      %dma_start3A_417 = arith.constant 0 : i32
      %dma_start3A_418 = tpu.memref_slice %arg6[%dma_start3A_414, %dma_start3A_415, %dma_start3A_416, %dma_start3A_417] : memref<2x4x200x64xf32, #tpu.memory_space<vmem>> -> memref<1x1x72x64xf32, #tpu.memory_space<vmem>>
      %dma_start3A_419 = tpu.memref_squeeze %dma_start3A_418 : memref<1x1x72x64xf32, #tpu.memory_space<vmem>> -> memref<72x64xf32, #tpu.memory_space<vmem>>
      %dma_start3A_420 = arith.constant 128 : i32
      %dma_start3A_421 = tpu.memref_slice %arg5[%dma_start3A_412, %dma_start3A_413, %dma_start3A_420] : memref<2x4x200xi32, #tpu.memory_space<vmem>> -> memref<1x1x72xi32, #tpu.memory_space<vmem>>
      %dma_start3A_422 = tpu.memref_squeeze %dma_start3A_421 : memref<1x1x72xi32, #tpu.memory_space<vmem>> -> memref<72xi32, #tpu.memory_space<vmem>>
      %dma_start3A_423 = arith.constant 0 : i32
      %dma_start3A_424 = arith.constant 0 : i32
      %dma_start3A_425 = tpu.memref_slice %arg3[%dma_start3A_423, %dma_start3A_424] : memref<1000000x64xf32, #tpu.memory_space<hbm>> -> memref<1000000x64xf32, #tpu.memory_space<hbm>>
      tpu.enqueue_indirect_dma source(%dma_start3A_425 : memref<1000000x64xf32, #tpu.memory_space<hbm>>) target(%dma_start3A_419 : memref<72x64xf32, #tpu.memory_space<vmem>>) offsets(%dma_start3A_422 : memref<72xi32, #tpu.memory_space<vmem>>) semaphore(%arg8 : memref<!tpu.dma_semaphore, #tpu.memory_space<semaphore_mem>>)
      %dma_wait3A_426 = arith.constant 0 : i32
      %dma_wait3A_427 = arith.constant 0 : i32
      %dma_wait3A_428 = arith.constant 0 : i32
      %dma_wait3A_429 = arith.constant 0 : i32
      %dma_wait3A_430 = arith.constant 0 : i32
      %dma_wait3A_431 = arith.constant 0 : i32
      %dma_wait3A_432 = tpu.memref_slice %arg6[%dma_wait3A_428, %dma_wait3A_429, %dma_wait3A_430, %dma_wait3A_431] : memref<2x4x200x64xf32, #tpu.memory_space<vmem>> -> memref<1x1x128x64xf32, #tpu.memory_space<vmem>>
      %dma_wait3A_433 = tpu.memref_squeeze %dma_wait3A_432 : memref<1x1x128x64xf32, #tpu.memory_space<vmem>> -> memref<128x64xf32, #tpu.memory_space<vmem>>
      %dma_wait3A_434 = arith.constant 0 : i32
      %dma_wait3A_435 = tpu.memref_slice %arg5[%dma_wait3A_426, %dma_wait3A_427, %dma_wait3A_434] : memref<2x4x200xi32, #tpu.memory_space<vmem>> -> memref<1x1x128xi32, #tpu.memory_space<vmem>>
      %dma_wait3A_436 = tpu.memref_squeeze %dma_wait3A_435 : memref<1x1x128xi32, #tpu.memory_space<vmem>> -> memref<128xi32, #tpu.memory_space<vmem>>
      %dma_wait3A_437 = arith.constant 0 : i32
      %dma_wait3A_438 = arith.constant 0 : i32
      %dma_wait3A_439 = tpu.memref_slice %arg3[%dma_wait3A_437, %dma_wait3A_438] : memref<1000000x64xf32, #tpu.memory_space<hbm>> -> memref<1000000x64xf32, #tpu.memory_space<hbm>>
      tpu.wait_indirect_dma semaphore(%arg7 : memref<!tpu.dma_semaphore, #tpu.memory_space<semaphore_mem>>) src(%dma_wait3A_439 : memref<1000000x64xf32, #tpu.memory_space<hbm>>) dst(%dma_wait3A_433 : memref<128x64xf32, #tpu.memory_space<vmem>>)
      %dma_wait3A_440 = arith.constant 0 : i32
      %dma_wait3A_441 = arith.constant 0 : i32
      %dma_wait3A_442 = arith.constant 0 : i32
      %dma_wait3A_443 = arith.constant 0 : i32
      %dma_wait3A_444 = arith.constant 128 : i32
      %dma_wait3A_445 = arith.constant 0 : i32
      %dma_wait3A_446 = tpu.memref_slice %arg6[%dma_wait3A_442, %dma_wait3A_443, %dma_wait3A_444, %dma_wait3A_445] : memref<2x4x200x64xf32, #tpu.memory_space<vmem>> -> memref<1x1x72x64xf32, #tpu.memory_space<vmem>>
      %dma_wait3A_447 = tpu.memref_squeeze %dma_wait3A_446 : memref<1x1x72x64xf32, #tpu.memory_space<vmem>> -> memref<72x64xf32, #tpu.memory_space<vmem>>
      %dma_wait3A_448 = arith.constant 128 : i32
      %dma_wait3A_449 = tpu.memref_slice %arg5[%dma_wait3A_440, %dma_wait3A_441, %dma_wait3A_448] : memref<2x4x200xi32, #tpu.memory_space<vmem>> -> memref<1x1x72xi32, #tpu.memory_space<vmem>>
      %dma_wait3A_450 = tpu.memref_squeeze %dma_wait3A_449 : memref<1x1x72xi32, #tpu.memory_space<vmem>> -> memref<72xi32, #tpu.memory_space<vmem>>
      %dma_wait3A_451 = arith.constant 0 : i32
      %dma_wait3A_452 = arith.constant 0 : i32
      %dma_wait3A_453 = tpu.memref_slice %arg3[%dma_wait3A_451, %dma_wait3A_452] : memref<1000000x64xf32, #tpu.memory_space<hbm>> -> memref<1000000x64xf32, #tpu.memory_space<hbm>>
      tpu.wait_indirect_dma semaphore(%arg7 : memref<!tpu.dma_semaphore, #tpu.memory_space<semaphore_mem>>) src(%dma_wait3A_453 : memref<1000000x64xf32, #tpu.memory_space<hbm>>) dst(%dma_wait3A_447 : memref<72x64xf32, #tpu.memory_space<vmem>>)
      %dma_wait3A_454 = arith.constant 0 : i32
      %dma_wait3A_455 = arith.constant 1 : i32
      %dma_wait3A_456 = arith.constant 0 : i32
      %dma_wait3A_457 = arith.constant 1 : i32
      %dma_wait3A_458 = arith.constant 0 : i32
      %dma_wait3A_459 = arith.constant 0 : i32
      %dma_wait3A_460 = tpu.memref_slice %arg6[%dma_wait3A_456, %dma_wait3A_457, %dma_wait3A_458, %dma_wait3A_459] : memref<2x4x200x64xf32, #tpu.memory_space<vmem>> -> memref<1x1x128x64xf32, #tpu.memory_space<vmem>>
      %dma_wait3A_461 = tpu.memref_squeeze %dma_wait3A_460 : memref<1x1x128x64xf32, #tpu.memory_space<vmem>> -> memref<128x64xf32, #tpu.memory_space<vmem>>
      %dma_wait3A_462 = arith.constant 0 : i32
      %dma_wait3A_463 = tpu.memref_slice %arg5[%dma_wait3A_454, %dma_wait3A_455, %dma_wait3A_462] : memref<2x4x200xi32, #tpu.memory_space<vmem>> -> memref<1x1x128xi32, #tpu.memory_space<vmem>>
      %dma_wait3A_464 = tpu.memref_squeeze %dma_wait3A_463 : memref<1x1x128xi32, #tpu.memory_space<vmem>> -> memref<128xi32, #tpu.memory_space<vmem>>
      %dma_wait3A_465 = arith.constant 0 : i32
      %dma_wait3A_466 = arith.constant 0 : i32
      %dma_wait3A_467 = tpu.memref_slice %arg3[%dma_wait3A_465, %dma_wait3A_466] : memref<1000000x64xf32, #tpu.memory_space<hbm>> -> memref<1000000x64xf32, #tpu.memory_space<hbm>>
      tpu.wait_indirect_dma semaphore(%arg7 : memref<!tpu.dma_semaphore, #tpu.memory_space<semaphore_mem>>) src(%dma_wait3A_467 : memref<1000000x64xf32, #tpu.memory_space<hbm>>) dst(%dma_wait3A_461 : memref<128x64xf32, #tpu.memory_space<vmem>>)
      %dma_wait3A_468 = arith.constant 0 : i32
      %dma_wait3A_469 = arith.constant 1 : i32
      %dma_wait3A_470 = arith.constant 0 : i32
      %dma_wait3A_471 = arith.constant 1 : i32
      %dma_wait3A_472 = arith.constant 128 : i32
      %dma_wait3A_473 = arith.constant 0 : i32
      %dma_wait3A_474 = tpu.memref_slice %arg6[%dma_wait3A_470, %dma_wait3A_471, %dma_wait3A_472, %dma_wait3A_473] : memref<2x4x200x64xf32, #tpu.memory_space<vmem>> -> memref<1x1x72x64xf32, #tpu.memory_space<vmem>>
      %dma_wait3A_475 = tpu.memref_squeeze %dma_wait3A_474 : memref<1x1x72x64xf32, #tpu.memory_space<vmem>> -> memref<72x64xf32, #tpu.memory_space<vmem>>
      %dma_wait3A_476 = arith.constant 128 : i32
      %dma_wait3A_477 = tpu.memref_slice %arg5[%dma_wait3A_468, %dma_wait3A_469, %dma_wait3A_476] : memref<2x4x200xi32, #tpu.memory_space<vmem>> -> memref<1x1x72xi32, #tpu.memory_space<vmem>>
      %dma_wait3A_478 = tpu.memref_squeeze %dma_wait3A_477 : memref<1x1x72xi32, #tpu.memory_space<vmem>> -> memref<72xi32, #tpu.memory_space<vmem>>
      %dma_wait3A_479 = arith.constant 0 : i32
      %dma_wait3A_480 = arith.constant 0 : i32
      %dma_wait3A_481 = tpu.memref_slice %arg3[%dma_wait3A_479, %dma_wait3A_480] : memref<1000000x64xf32, #tpu.memory_space<hbm>> -> memref<1000000x64xf32, #tpu.memory_space<hbm>>
      tpu.wait_indirect_dma semaphore(%arg7 : memref<!tpu.dma_semaphore, #tpu.memory_space<semaphore_mem>>) src(%dma_wait3A_481 : memref<1000000x64xf32, #tpu.memory_space<hbm>>) dst(%dma_wait3A_475 : memref<72x64xf32, #tpu.memory_space<vmem>>)
      %dma_wait3A_482 = arith.constant 0 : i32
      %dma_wait3A_483 = arith.constant 2 : i32
      %dma_wait3A_484 = arith.constant 0 : i32
      %dma_wait3A_485 = arith.constant 2 : i32
      %dma_wait3A_486 = arith.constant 0 : i32
      %dma_wait3A_487 = arith.constant 0 : i32
      %dma_wait3A_488 = tpu.memref_slice %arg6[%dma_wait3A_484, %dma_wait3A_485, %dma_wait3A_486, %dma_wait3A_487] : memref<2x4x200x64xf32, #tpu.memory_space<vmem>> -> memref<1x1x128x64xf32, #tpu.memory_space<vmem>>
      %dma_wait3A_489 = tpu.memref_squeeze %dma_wait3A_488 : memref<1x1x128x64xf32, #tpu.memory_space<vmem>> -> memref<128x64xf32, #tpu.memory_space<vmem>>
      %dma_wait3A_490 = arith.constant 0 : i32
      %dma_wait3A_491 = tpu.memref_slice %arg5[%dma_wait3A_482, %dma_wait3A_483, %dma_wait3A_490] : memref<2x4x200xi32, #tpu.memory_space<vmem>> -> memref<1x1x128xi32, #tpu.memory_space<vmem>>
      %dma_wait3A_492 = tpu.memref_squeeze %dma_wait3A_491 : memref<1x1x128xi32, #tpu.memory_space<vmem>> -> memref<128xi32, #tpu.memory_space<vmem>>
      %dma_wait3A_493 = arith.constant 0 : i32
      %dma_wait3A_494 = arith.constant 0 : i32
      %dma_wait3A_495 = tpu.memref_slice %arg3[%dma_wait3A_493, %dma_wait3A_494] : memref<1000000x64xf32, #tpu.memory_space<hbm>> -> memref<1000000x64xf32, #tpu.memory_space<hbm>>
      tpu.wait_indirect_dma semaphore(%arg7 : memref<!tpu.dma_semaphore, #tpu.memory_space<semaphore_mem>>) src(%dma_wait3A_495 : memref<1000000x64xf32, #tpu.memory_space<hbm>>) dst(%dma_wait3A_489 : memref<128x64xf32, #tpu.memory_space<vmem>>)
      %dma_wait3A_496 = arith.constant 0 : i32
      %dma_wait3A_497 = arith.constant 2 : i32
      %dma_wait3A_498 = arith.constant 0 : i32
      %dma_wait3A_499 = arith.constant 2 : i32
      %dma_wait3A_500 = arith.constant 128 : i32
      %dma_wait3A_501 = arith.constant 0 : i32
      %dma_wait3A_502 = tpu.memref_slice %arg6[%dma_wait3A_498, %dma_wait3A_499, %dma_wait3A_500, %dma_wait3A_501] : memref<2x4x200x64xf32, #tpu.memory_space<vmem>> -> memref<1x1x72x64xf32, #tpu.memory_space<vmem>>
      %dma_wait3A_503 = tpu.memref_squeeze %dma_wait3A_502 : memref<1x1x72x64xf32, #tpu.memory_space<vmem>> -> memref<72x64xf32, #tpu.memory_space<vmem>>
      %dma_wait3A_504 = arith.constant 128 : i32
      %dma_wait3A_505 = tpu.memref_slice %arg5[%dma_wait3A_496, %dma_wait3A_497, %dma_wait3A_504] : memref<2x4x200xi32, #tpu.memory_space<vmem>> -> memref<1x1x72xi32, #tpu.memory_space<vmem>>
      %dma_wait3A_506 = tpu.memref_squeeze %dma_wait3A_505 : memref<1x1x72xi32, #tpu.memory_space<vmem>> -> memref<72xi32, #tpu.memory_space<vmem>>
      %dma_wait3A_507 = arith.constant 0 : i32
      %dma_wait3A_508 = arith.constant 0 : i32
      %dma_wait3A_509 = tpu.memref_slice %arg3[%dma_wait3A_507, %dma_wait3A_508] : memref<1000000x64xf32, #tpu.memory_space<hbm>> -> memref<1000000x64xf32, #tpu.memory_space<hbm>>
      tpu.wait_indirect_dma semaphore(%arg7 : memref<!tpu.dma_semaphore, #tpu.memory_space<semaphore_mem>>) src(%dma_wait3A_509 : memref<1000000x64xf32, #tpu.memory_space<hbm>>) dst(%dma_wait3A_503 : memref<72x64xf32, #tpu.memory_space<vmem>>)
      %dma_wait3A_510 = arith.constant 0 : i32
      %dma_wait3A_511 = arith.constant 3 : i32
      %dma_wait3A_512 = arith.constant 0 : i32
      %dma_wait3A_513 = arith.constant 3 : i32
      %dma_wait3A_514 = arith.constant 0 : i32
      %dma_wait3A_515 = arith.constant 0 : i32
      %dma_wait3A_516 = tpu.memref_slice %arg6[%dma_wait3A_512, %dma_wait3A_513, %dma_wait3A_514, %dma_wait3A_515] : memref<2x4x200x64xf32, #tpu.memory_space<vmem>> -> memref<1x1x128x64xf32, #tpu.memory_space<vmem>>
      %dma_wait3A_517 = tpu.memref_squeeze %dma_wait3A_516 : memref<1x1x128x64xf32, #tpu.memory_space<vmem>> -> memref<128x64xf32, #tpu.memory_space<vmem>>
      %dma_wait3A_518 = arith.constant 0 : i32
      %dma_wait3A_519 = tpu.memref_slice %arg5[%dma_wait3A_510, %dma_wait3A_511, %dma_wait3A_518] : memref<2x4x200xi32, #tpu.memory_space<vmem>> -> memref<1x1x128xi32, #tpu.memory_space<vmem>>
      %dma_wait3A_520 = tpu.memref_squeeze %dma_wait3A_519 : memref<1x1x128xi32, #tpu.memory_space<vmem>> -> memref<128xi32, #tpu.memory_space<vmem>>
      %dma_wait3A_521 = arith.constant 0 : i32
      %dma_wait3A_522 = arith.constant 0 : i32
      %dma_wait3A_523 = tpu.memref_slice %arg3[%dma_wait3A_521, %dma_wait3A_522] : memref<1000000x64xf32, #tpu.memory_space<hbm>> -> memref<1000000x64xf32, #tpu.memory_space<hbm>>
      tpu.wait_indirect_dma semaphore(%arg7 : memref<!tpu.dma_semaphore, #tpu.memory_space<semaphore_mem>>) src(%dma_wait3A_523 : memref<1000000x64xf32, #tpu.memory_space<hbm>>) dst(%dma_wait3A_517 : memref<128x64xf32, #tpu.memory_space<vmem>>)
      %dma_wait3A_524 = arith.constant 0 : i32
      %dma_wait3A_525 = arith.constant 3 : i32
      %dma_wait3A_526 = arith.constant 0 : i32
      %dma_wait3A_527 = arith.constant 3 : i32
      %dma_wait3A_528 = arith.constant 128 : i32
      %dma_wait3A_529 = arith.constant 0 : i32
      %dma_wait3A_530 = tpu.memref_slice %arg6[%dma_wait3A_526, %dma_wait3A_527, %dma_wait3A_528, %dma_wait3A_529] : memref<2x4x200x64xf32, #tpu.memory_space<vmem>> -> memref<1x1x72x64xf32, #tpu.memory_space<vmem>>
      %dma_wait3A_531 = tpu.memref_squeeze %dma_wait3A_530 : memref<1x1x72x64xf32, #tpu.memory_space<vmem>> -> memref<72x64xf32, #tpu.memory_space<vmem>>
      %dma_wait3A_532 = arith.constant 128 : i32
      %dma_wait3A_533 = tpu.memref_slice %arg5[%dma_wait3A_524, %dma_wait3A_525, %dma_wait3A_532] : memref<2x4x200xi32, #tpu.memory_space<vmem>> -> memref<1x1x72xi32, #tpu.memory_space<vmem>>
      %dma_wait3A_534 = tpu.memref_squeeze %dma_wait3A_533 : memref<1x1x72xi32, #tpu.memory_space<vmem>> -> memref<72xi32, #tpu.memory_space<vmem>>
      %dma_wait3A_535 = arith.constant 0 : i32
      %dma_wait3A_536 = arith.constant 0 : i32
      %dma_wait3A_537 = tpu.memref_slice %arg3[%dma_wait3A_535, %dma_wait3A_536] : memref<1000000x64xf32, #tpu.memory_space<hbm>> -> memref<1000000x64xf32, #tpu.memory_space<hbm>>
      tpu.wait_indirect_dma semaphore(%arg7 : memref<!tpu.dma_semaphore, #tpu.memory_space<semaphore_mem>>) src(%dma_wait3A_537 : memref<1000000x64xf32, #tpu.memory_space<hbm>>) dst(%dma_wait3A_531 : memref<72x64xf32, #tpu.memory_space<vmem>>)
      %sub3A_538 = arith.constant 4 : i32
      %sub3A_539 = arith.subi %add3A_308, %sub3A_538 : i32
      %dma_start3A_540 = arith.constant 0 : i32
      %dma_start3A_541 = arith.constant 0 : i32
      %dma_start3A_542 = arith.constant 0 : i32
      %dma_start3A_543 = arith.constant 0 : i32
      %dma_start3A_544 = tpu.memref_slice %arg6[%dma_start3A_540, %dma_start3A_541, %dma_start3A_542, %dma_start3A_543] : memref<2x4x200x64xf32, #tpu.memory_space<vmem>> -> memref<1x4x200x64xf32, #tpu.memory_space<vmem>>
      %dma_start3A_545 = tpu.memref_squeeze %dma_start3A_544 : memref<1x4x200x64xf32, #tpu.memory_space<vmem>> -> memref<4x200x64xf32, #tpu.memory_space<vmem>>
      %dma_start3A_546 = arith.constant 0 : i32
      %dma_start3A_547 = arith.constant 0 : i32
      %dma_start3A_548 = tpu.memref_slice %arg4[%sub3A_539, %dma_start3A_546, %dma_start3A_547] : memref<4096x200x64xf32, #tpu.memory_space<hbm>> -> memref<4x200x64xf32, #tpu.memory_space<hbm>>
      %dma_start3A_549 = arith.constant 0 : i32
      %dma_start3A_550 = arith.constant 0 : i32
      %dma_start3A_551 = tpu.memref_slice %arg4[%sub3A_539, %dma_start3A_549, %dma_start3A_550] : memref<4096x200x64xf32, #tpu.memory_space<hbm>> -> memref<4x200x64xf32, #tpu.memory_space<hbm>>
      %dma_start3A_552 = arith.constant 0 : i32
      %dma_start3A_553 = arith.constant 0 : i32
      %dma_start3A_554 = arith.constant 0 : i32
      %dma_start3A_555 = tpu.memref_slice %arg6[%dma_start3A_540, %dma_start3A_552, %dma_start3A_553, %dma_start3A_554] : memref<2x4x200x64xf32, #tpu.memory_space<vmem>> -> memref<1x4x200x64xf32, #tpu.memory_space<vmem>>
      %dma_start3A_556 = tpu.memref_squeeze %dma_start3A_555 : memref<1x4x200x64xf32, #tpu.memory_space<vmem>> -> memref<4x200x64xf32, #tpu.memory_space<vmem>>
      tpu.enqueue_dma source(%dma_start3A_556 : memref<4x200x64xf32, #tpu.memory_space<vmem>>) target(%dma_start3A_551 : memref<4x200x64xf32, #tpu.memory_space<hbm>>) target_semaphore(%arg9 : memref<!tpu.dma_semaphore, #tpu.memory_space<semaphore_mem>>)
      %lt3A = arith.constant 15 : i32
      %lt3A_557 = arith.cmpi slt, %scan3A_172, %lt3A : i32
      %convert_element_type3A_558 = arith.extui %lt3A_557 : i1 to i32
      %cond3A_559 = arith.constant 0 : i32
      %cond3A_560 = arith.cmpi ne, %convert_element_type3A_558, %cond3A_559 : i32
      scf.if %cond3A_560 {
        %add3A_561 = arith.constant 4 : i32
        %add3A_562 = arith.addi %add3A_308, %add3A_561 : i32
        %run_scoped3A_563 = arith.constant 0 : i32
        "tpu.region"() ({
          %run_scoped3A_564 = tpu.sem_alloc : memref<!tpu.dma_semaphore, #tpu.memory_space<semaphore_mem>>
          %dma_start3A_565 = arith.constant 0 : i32
          %dma_start3A_566 = arith.constant 0 : i32
          %dma_start3A_567 = tpu.memref_slice %arg5[%run_scoped3A_563, %dma_start3A_565, %dma_start3A_566] : memref<2x4x200xi32, #tpu.memory_space<vmem>> -> memref<1x4x200xi32, #tpu.memory_space<vmem>>
          %dma_start3A_568 = tpu.memref_squeeze %dma_start3A_567 : memref<1x4x200xi32, #tpu.memory_space<vmem>> -> memref<4x200xi32, #tpu.memory_space<vmem>>
          %dma_start3A_569 = arith.constant 0 : i32
          %dma_start3A_570 = tpu.memref_slice %arg2[%add3A_562, %dma_start3A_569] : memref<4096x200xi32, #tpu.memory_space<hbm>> -> memref<4x200xi32, #tpu.memory_space<hbm>>
          %dma_start3A_571 = arith.constant 0 : i32
          %dma_start3A_572 = arith.constant 0 : i32
          %dma_start3A_573 = tpu.memref_slice %arg5[%run_scoped3A_563, %dma_start3A_571, %dma_start3A_572] : memref<2x4x200xi32, #tpu.memory_space<vmem>> -> memref<1x4x200xi32, #tpu.memory_space<vmem>>
          %dma_start3A_574 = tpu.memref_squeeze %dma_start3A_573 : memref<1x4x200xi32, #tpu.memory_space<vmem>> -> memref<4x200xi32, #tpu.memory_space<vmem>>
          %dma_start3A_575 = arith.constant 0 : i32
          %dma_start3A_576 = tpu.memref_slice %arg2[%add3A_562, %dma_start3A_575] : memref<4096x200xi32, #tpu.memory_space<hbm>> -> memref<4x200xi32, #tpu.memory_space<hbm>>
          tpu.enqueue_dma source(%dma_start3A_576 : memref<4x200xi32, #tpu.memory_space<hbm>>) target(%dma_start3A_574 : memref<4x200xi32, #tpu.memory_space<vmem>>) target_semaphore(%run_scoped3A_564 : memref<!tpu.dma_semaphore, #tpu.memory_space<semaphore_mem>>)
          %dma_wait3A_577 = arith.constant 0 : i32
          %dma_wait3A_578 = arith.constant 0 : i32
          %dma_wait3A_579 = tpu.memref_slice %arg5[%run_scoped3A_563, %dma_wait3A_577, %dma_wait3A_578] : memref<2x4x200xi32, #tpu.memory_space<vmem>> -> memref<1x4x200xi32, #tpu.memory_space<vmem>>
          %dma_wait3A_580 = tpu.memref_squeeze %dma_wait3A_579 : memref<1x4x200xi32, #tpu.memory_space<vmem>> -> memref<4x200xi32, #tpu.memory_space<vmem>>
          %dma_wait3A_581 = arith.constant 0 : i32
          %dma_wait3A_582 = tpu.memref_slice %arg2[%add3A_562, %dma_wait3A_581] : memref<4096x200xi32, #tpu.memory_space<hbm>> -> memref<4x200xi32, #tpu.memory_space<hbm>>
          %dma_wait3A_583 = arith.constant 0 : i32
          %dma_wait3A_584 = arith.constant 0 : i32
          %dma_wait3A_585 = tpu.memref_slice %arg5[%run_scoped3A_563, %dma_wait3A_583, %dma_wait3A_584] : memref<2x4x200xi32, #tpu.memory_space<vmem>> -> memref<1x4x200xi32, #tpu.memory_space<vmem>>
          %dma_wait3A_586 = tpu.memref_squeeze %dma_wait3A_585 : memref<1x4x200xi32, #tpu.memory_space<vmem>> -> memref<4x200xi32, #tpu.memory_space<vmem>>
          %dma_wait3A_587 = arith.constant 0 : i32
          %dma_wait3A_588 = tpu.memref_slice %arg2[%add3A_562, %dma_wait3A_587] : memref<4096x200xi32, #tpu.memory_space<hbm>> -> memref<4x200xi32, #tpu.memory_space<hbm>>
          tpu.wait_dma2 semaphore(%run_scoped3A_564 : memref<!tpu.dma_semaphore, #tpu.memory_space<semaphore_mem>>) src(%dma_wait3A_588 : memref<4x200xi32, #tpu.memory_space<hbm>>) dst(%dma_wait3A_586 : memref<4x200xi32, #tpu.memory_space<vmem>>)
          tpu.yield
        }) : () -> ()
      } else {
      }
    }
    %scan3A_7 = arith.constant 16 : i32
    %add3A_8 = arith.constant 124 : i32
    %add3A_9 = arith.addi %mul3A_2, %add3A_8 : i32
    %dma_wait3A = arith.constant 1 : i32
    %dma_wait3A_10 = arith.constant 0 : i32
    %dma_wait3A_11 = arith.constant 1 : i32
    %dma_wait3A_12 = arith.constant 0 : i32
    %dma_wait3A_13 = arith.constant 0 : i32
    %dma_wait3A_14 = arith.constant 0 : i32
    %dma_wait3A_15 = tpu.memref_slice %arg6[%dma_wait3A_11, %dma_wait3A_12, %dma_wait3A_13, %dma_wait3A_14] : memref<2x4x200x64xf32, #tpu.memory_space<vmem>> -> memref<1x1x128x64xf32, #tpu.memory_space<vmem>>
    %dma_wait3A_16 = tpu.memref_squeeze %dma_wait3A_15 : memref<1x1x128x64xf32, #tpu.memory_space<vmem>> -> memref<128x64xf32, #tpu.memory_space<vmem>>
    %dma_wait3A_17 = arith.constant 0 : i32
    %dma_wait3A_18 = tpu.memref_slice %arg5[%dma_wait3A, %dma_wait3A_10, %dma_wait3A_17] : memref<2x4x200xi32, #tpu.memory_space<vmem>> -> memref<1x1x128xi32, #tpu.memory_space<vmem>>
    %dma_wait3A_19 = tpu.memref_squeeze %dma_wait3A_18 : memref<1x1x128xi32, #tpu.memory_space<vmem>> -> memref<128xi32, #tpu.memory_space<vmem>>
    %dma_wait3A_20 = arith.constant 0 : i32
    %dma_wait3A_21 = arith.constant 0 : i32
    %dma_wait3A_22 = tpu.memref_slice %arg3[%dma_wait3A_20, %dma_wait3A_21] : memref<1000000x64xf32, #tpu.memory_space<hbm>> -> memref<1000000x64xf32, #tpu.memory_space<hbm>>
    tpu.wait_indirect_dma semaphore(%arg8 : memref<!tpu.dma_semaphore, #tpu.memory_space<semaphore_mem>>) src(%dma_wait3A_22 : memref<1000000x64xf32, #tpu.memory_space<hbm>>) dst(%dma_wait3A_16 : memref<128x64xf32, #tpu.memory_space<vmem>>)
    %dma_wait3A_23 = arith.constant 1 : i32
    %dma_wait3A_24 = arith.constant 0 : i32
    %dma_wait3A_25 = arith.constant 1 : i32
    %dma_wait3A_26 = arith.constant 0 : i32
    %dma_wait3A_27 = arith.constant 128 : i32
    %dma_wait3A_28 = arith.constant 0 : i32
    %dma_wait3A_29 = tpu.memref_slice %arg6[%dma_wait3A_25, %dma_wait3A_26, %dma_wait3A_27, %dma_wait3A_28] : memref<2x4x200x64xf32, #tpu.memory_space<vmem>> -> memref<1x1x72x64xf32, #tpu.memory_space<vmem>>
    %dma_wait3A_30 = tpu.memref_squeeze %dma_wait3A_29 : memref<1x1x72x64xf32, #tpu.memory_space<vmem>> -> memref<72x64xf32, #tpu.memory_space<vmem>>
    %dma_wait3A_31 = arith.constant 128 : i32
    %dma_wait3A_32 = tpu.memref_slice %arg5[%dma_wait3A_23, %dma_wait3A_24, %dma_wait3A_31] : memref<2x4x200xi32, #tpu.memory_space<vmem>> -> memref<1x1x72xi32, #tpu.memory_space<vmem>>
    %dma_wait3A_33 = tpu.memref_squeeze %dma_wait3A_32 : memref<1x1x72xi32, #tpu.memory_space<vmem>> -> memref<72xi32, #tpu.memory_space<vmem>>
    %dma_wait3A_34 = arith.constant 0 : i32
    %dma_wait3A_35 = arith.constant 0 : i32
    %dma_wait3A_36 = tpu.memref_slice %arg3[%dma_wait3A_34, %dma_wait3A_35] : memref<1000000x64xf32, #tpu.memory_space<hbm>> -> memref<1000000x64xf32, #tpu.memory_space<hbm>>
    tpu.wait_indirect_dma semaphore(%arg8 : memref<!tpu.dma_semaphore, #tpu.memory_space<semaphore_mem>>) src(%dma_wait3A_36 : memref<1000000x64xf32, #tpu.memory_space<hbm>>) dst(%dma_wait3A_30 : memref<72x64xf32, #tpu.memory_space<vmem>>)
    %dma_wait3A_37 = arith.constant 1 : i32
    %dma_wait3A_38 = arith.constant 1 : i32
    %dma_wait3A_39 = arith.constant 1 : i32
    %dma_wait3A_40 = arith.constant 1 : i32
    %dma_wait3A_41 = arith.constant 0 : i32
    %dma_wait3A_42 = arith.constant 0 : i32
    %dma_wait3A_43 = tpu.memref_slice %arg6[%dma_wait3A_39, %dma_wait3A_40, %dma_wait3A_41, %dma_wait3A_42] : memref<2x4x200x64xf32, #tpu.memory_space<vmem>> -> memref<1x1x128x64xf32, #tpu.memory_space<vmem>>
    %dma_wait3A_44 = tpu.memref_squeeze %dma_wait3A_43 : memref<1x1x128x64xf32, #tpu.memory_space<vmem>> -> memref<128x64xf32, #tpu.memory_space<vmem>>
    %dma_wait3A_45 = arith.constant 0 : i32
    %dma_wait3A_46 = tpu.memref_slice %arg5[%dma_wait3A_37, %dma_wait3A_38, %dma_wait3A_45] : memref<2x4x200xi32, #tpu.memory_space<vmem>> -> memref<1x1x128xi32, #tpu.memory_space<vmem>>
    %dma_wait3A_47 = tpu.memref_squeeze %dma_wait3A_46 : memref<1x1x128xi32, #tpu.memory_space<vmem>> -> memref<128xi32, #tpu.memory_space<vmem>>
    %dma_wait3A_48 = arith.constant 0 : i32
    %dma_wait3A_49 = arith.constant 0 : i32
    %dma_wait3A_50 = tpu.memref_slice %arg3[%dma_wait3A_48, %dma_wait3A_49] : memref<1000000x64xf32, #tpu.memory_space<hbm>> -> memref<1000000x64xf32, #tpu.memory_space<hbm>>
    tpu.wait_indirect_dma semaphore(%arg8 : memref<!tpu.dma_semaphore, #tpu.memory_space<semaphore_mem>>) src(%dma_wait3A_50 : memref<1000000x64xf32, #tpu.memory_space<hbm>>) dst(%dma_wait3A_44 : memref<128x64xf32, #tpu.memory_space<vmem>>)
    %dma_wait3A_51 = arith.constant 1 : i32
    %dma_wait3A_52 = arith.constant 1 : i32
    %dma_wait3A_53 = arith.constant 1 : i32
    %dma_wait3A_54 = arith.constant 1 : i32
    %dma_wait3A_55 = arith.constant 128 : i32
    %dma_wait3A_56 = arith.constant 0 : i32
    %dma_wait3A_57 = tpu.memref_slice %arg6[%dma_wait3A_53, %dma_wait3A_54, %dma_wait3A_55, %dma_wait3A_56] : memref<2x4x200x64xf32, #tpu.memory_space<vmem>> -> memref<1x1x72x64xf32, #tpu.memory_space<vmem>>
    %dma_wait3A_58 = tpu.memref_squeeze %dma_wait3A_57 : memref<1x1x72x64xf32, #tpu.memory_space<vmem>> -> memref<72x64xf32, #tpu.memory_space<vmem>>
    %dma_wait3A_59 = arith.constant 128 : i32
    %dma_wait3A_60 = tpu.memref_slice %arg5[%dma_wait3A_51, %dma_wait3A_52, %dma_wait3A_59] : memref<2x4x200xi32, #tpu.memory_space<vmem>> -> memref<1x1x72xi32, #tpu.memory_space<vmem>>
    %dma_wait3A_61 = tpu.memref_squeeze %dma_wait3A_60 : memref<1x1x72xi32, #tpu.memory_space<vmem>> -> memref<72xi32, #tpu.memory_space<vmem>>
    %dma_wait3A_62 = arith.constant 0 : i32
    %dma_wait3A_63 = arith.constant 0 : i32
    %dma_wait3A_64 = tpu.memref_slice %arg3[%dma_wait3A_62, %dma_wait3A_63] : memref<1000000x64xf32, #tpu.memory_space<hbm>> -> memref<1000000x64xf32, #tpu.memory_space<hbm>>
    tpu.wait_indirect_dma semaphore(%arg8 : memref<!tpu.dma_semaphore, #tpu.memory_space<semaphore_mem>>) src(%dma_wait3A_64 : memref<1000000x64xf32, #tpu.memory_space<hbm>>) dst(%dma_wait3A_58 : memref<72x64xf32, #tpu.memory_space<vmem>>)
    %dma_wait3A_65 = arith.constant 1 : i32
    %dma_wait3A_66 = arith.constant 2 : i32
    %dma_wait3A_67 = arith.constant 1 : i32
    %dma_wait3A_68 = arith.constant 2 : i32
    %dma_wait3A_69 = arith.constant 0 : i32
    %dma_wait3A_70 = arith.constant 0 : i32
    %dma_wait3A_71 = tpu.memref_slice %arg6[%dma_wait3A_67, %dma_wait3A_68, %dma_wait3A_69, %dma_wait3A_70] : memref<2x4x200x64xf32, #tpu.memory_space<vmem>> -> memref<1x1x128x64xf32, #tpu.memory_space<vmem>>
    %dma_wait3A_72 = tpu.memref_squeeze %dma_wait3A_71 : memref<1x1x128x64xf32, #tpu.memory_space<vmem>> -> memref<128x64xf32, #tpu.memory_space<vmem>>
    %dma_wait3A_73 = arith.constant 0 : i32
    %dma_wait3A_74 = tpu.memref_slice %arg5[%dma_wait3A_65, %dma_wait3A_66, %dma_wait3A_73] : memref<2x4x200xi32, #tpu.memory_space<vmem>> -> memref<1x1x128xi32, #tpu.memory_space<vmem>>
    %dma_wait3A_75 = tpu.memref_squeeze %dma_wait3A_74 : memref<1x1x128xi32, #tpu.memory_space<vmem>> -> memref<128xi32, #tpu.memory_space<vmem>>
    %dma_wait3A_76 = arith.constant 0 : i32
    %dma_wait3A_77 = arith.constant 0 : i32
    %dma_wait3A_78 = tpu.memref_slice %arg3[%dma_wait3A_76, %dma_wait3A_77] : memref<1000000x64xf32, #tpu.memory_space<hbm>> -> memref<1000000x64xf32, #tpu.memory_space<hbm>>
    tpu.wait_indirect_dma semaphore(%arg8 : memref<!tpu.dma_semaphore, #tpu.memory_space<semaphore_mem>>) src(%dma_wait3A_78 : memref<1000000x64xf32, #tpu.memory_space<hbm>>) dst(%dma_wait3A_72 : memref<128x64xf32, #tpu.memory_space<vmem>>)
    %dma_wait3A_79 = arith.constant 1 : i32
    %dma_wait3A_80 = arith.constant 2 : i32
    %dma_wait3A_81 = arith.constant 1 : i32
    %dma_wait3A_82 = arith.constant 2 : i32
    %dma_wait3A_83 = arith.constant 128 : i32
    %dma_wait3A_84 = arith.constant 0 : i32
    %dma_wait3A_85 = tpu.memref_slice %arg6[%dma_wait3A_81, %dma_wait3A_82, %dma_wait3A_83, %dma_wait3A_84] : memref<2x4x200x64xf32, #tpu.memory_space<vmem>> -> memref<1x1x72x64xf32, #tpu.memory_space<vmem>>
    %dma_wait3A_86 = tpu.memref_squeeze %dma_wait3A_85 : memref<1x1x72x64xf32, #tpu.memory_space<vmem>> -> memref<72x64xf32, #tpu.memory_space<vmem>>
    %dma_wait3A_87 = arith.constant 128 : i32
    %dma_wait3A_88 = tpu.memref_slice %arg5[%dma_wait3A_79, %dma_wait3A_80, %dma_wait3A_87] : memref<2x4x200xi32, #tpu.memory_space<vmem>> -> memref<1x1x72xi32, #tpu.memory_space<vmem>>
    %dma_wait3A_89 = tpu.memref_squeeze %dma_wait3A_88 : memref<1x1x72xi32, #tpu.memory_space<vmem>> -> memref<72xi32, #tpu.memory_space<vmem>>
    %dma_wait3A_90 = arith.constant 0 : i32
    %dma_wait3A_91 = arith.constant 0 : i32
    %dma_wait3A_92 = tpu.memref_slice %arg3[%dma_wait3A_90, %dma_wait3A_91] : memref<1000000x64xf32, #tpu.memory_space<hbm>> -> memref<1000000x64xf32, #tpu.memory_space<hbm>>
    tpu.wait_indirect_dma semaphore(%arg8 : memref<!tpu.dma_semaphore, #tpu.memory_space<semaphore_mem>>) src(%dma_wait3A_92 : memref<1000000x64xf32, #tpu.memory_space<hbm>>) dst(%dma_wait3A_86 : memref<72x64xf32, #tpu.memory_space<vmem>>)
    %dma_wait3A_93 = arith.constant 1 : i32
    %dma_wait3A_94 = arith.constant 3 : i32
    %dma_wait3A_95 = arith.constant 1 : i32
    %dma_wait3A_96 = arith.constant 3 : i32
    %dma_wait3A_97 = arith.constant 0 : i32
    %dma_wait3A_98 = arith.constant 0 : i32
    %dma_wait3A_99 = tpu.memref_slice %arg6[%dma_wait3A_95, %dma_wait3A_96, %dma_wait3A_97, %dma_wait3A_98] : memref<2x4x200x64xf32, #tpu.memory_space<vmem>> -> memref<1x1x128x64xf32, #tpu.memory_space<vmem>>
    %dma_wait3A_100 = tpu.memref_squeeze %dma_wait3A_99 : memref<1x1x128x64xf32, #tpu.memory_space<vmem>> -> memref<128x64xf32, #tpu.memory_space<vmem>>
    %dma_wait3A_101 = arith.constant 0 : i32
    %dma_wait3A_102 = tpu.memref_slice %arg5[%dma_wait3A_93, %dma_wait3A_94, %dma_wait3A_101] : memref<2x4x200xi32, #tpu.memory_space<vmem>> -> memref<1x1x128xi32, #tpu.memory_space<vmem>>
    %dma_wait3A_103 = tpu.memref_squeeze %dma_wait3A_102 : memref<1x1x128xi32, #tpu.memory_space<vmem>> -> memref<128xi32, #tpu.memory_space<vmem>>
    %dma_wait3A_104 = arith.constant 0 : i32
    %dma_wait3A_105 = arith.constant 0 : i32
    %dma_wait3A_106 = tpu.memref_slice %arg3[%dma_wait3A_104, %dma_wait3A_105] : memref<1000000x64xf32, #tpu.memory_space<hbm>> -> memref<1000000x64xf32, #tpu.memory_space<hbm>>
    tpu.wait_indirect_dma semaphore(%arg8 : memref<!tpu.dma_semaphore, #tpu.memory_space<semaphore_mem>>) src(%dma_wait3A_106 : memref<1000000x64xf32, #tpu.memory_space<hbm>>) dst(%dma_wait3A_100 : memref<128x64xf32, #tpu.memory_space<vmem>>)
    %dma_wait3A_107 = arith.constant 1 : i32
    %dma_wait3A_108 = arith.constant 3 : i32
    %dma_wait3A_109 = arith.constant 1 : i32
    %dma_wait3A_110 = arith.constant 3 : i32
    %dma_wait3A_111 = arith.constant 128 : i32
    %dma_wait3A_112 = arith.constant 0 : i32
    %dma_wait3A_113 = tpu.memref_slice %arg6[%dma_wait3A_109, %dma_wait3A_110, %dma_wait3A_111, %dma_wait3A_112] : memref<2x4x200x64xf32, #tpu.memory_space<vmem>> -> memref<1x1x72x64xf32, #tpu.memory_space<vmem>>
    %dma_wait3A_114 = tpu.memref_squeeze %dma_wait3A_113 : memref<1x1x72x64xf32, #tpu.memory_space<vmem>> -> memref<72x64xf32, #tpu.memory_space<vmem>>
    %dma_wait3A_115 = arith.constant 128 : i32
    %dma_wait3A_116 = tpu.memref_slice %arg5[%dma_wait3A_107, %dma_wait3A_108, %dma_wait3A_115] : memref<2x4x200xi32, #tpu.memory_space<vmem>> -> memref<1x1x72xi32, #tpu.memory_space<vmem>>
    %dma_wait3A_117 = tpu.memref_squeeze %dma_wait3A_116 : memref<1x1x72xi32, #tpu.memory_space<vmem>> -> memref<72xi32, #tpu.memory_space<vmem>>
    %dma_wait3A_118 = arith.constant 0 : i32
    %dma_wait3A_119 = arith.constant 0 : i32
    %dma_wait3A_120 = tpu.memref_slice %arg3[%dma_wait3A_118, %dma_wait3A_119] : memref<1000000x64xf32, #tpu.memory_space<hbm>> -> memref<1000000x64xf32, #tpu.memory_space<hbm>>
    tpu.wait_indirect_dma semaphore(%arg8 : memref<!tpu.dma_semaphore, #tpu.memory_space<semaphore_mem>>) src(%dma_wait3A_120 : memref<1000000x64xf32, #tpu.memory_space<hbm>>) dst(%dma_wait3A_114 : memref<72x64xf32, #tpu.memory_space<vmem>>)
    %dma_start3A = arith.constant 1 : i32
    %dma_start3A_121 = arith.constant 0 : i32
    %dma_start3A_122 = arith.constant 0 : i32
    %dma_start3A_123 = arith.constant 0 : i32
    %dma_start3A_124 = tpu.memref_slice %arg6[%dma_start3A, %dma_start3A_121, %dma_start3A_122, %dma_start3A_123] : memref<2x4x200x64xf32, #tpu.memory_space<vmem>> -> memref<1x4x200x64xf32, #tpu.memory_space<vmem>>
    %dma_start3A_125 = tpu.memref_squeeze %dma_start3A_124 : memref<1x4x200x64xf32, #tpu.memory_space<vmem>> -> memref<4x200x64xf32, #tpu.memory_space<vmem>>
    %dma_start3A_126 = arith.constant 0 : i32
    %dma_start3A_127 = arith.constant 0 : i32
    %dma_start3A_128 = tpu.memref_slice %arg4[%add3A_9, %dma_start3A_126, %dma_start3A_127] : memref<4096x200x64xf32, #tpu.memory_space<hbm>> -> memref<4x200x64xf32, #tpu.memory_space<hbm>>
    %dma_start3A_129 = arith.constant 0 : i32
    %dma_start3A_130 = arith.constant 0 : i32
    %dma_start3A_131 = tpu.memref_slice %arg4[%add3A_9, %dma_start3A_129, %dma_start3A_130] : memref<4096x200x64xf32, #tpu.memory_space<hbm>> -> memref<4x200x64xf32, #tpu.memory_space<hbm>>
    %dma_start3A_132 = arith.constant 0 : i32
    %dma_start3A_133 = arith.constant 0 : i32
    %dma_start3A_134 = arith.constant 0 : i32
    %dma_start3A_135 = tpu.memref_slice %arg6[%dma_start3A, %dma_start3A_132, %dma_start3A_133, %dma_start3A_134] : memref<2x4x200x64xf32, #tpu.memory_space<vmem>> -> memref<1x4x200x64xf32, #tpu.memory_space<vmem>>
    %dma_start3A_136 = tpu.memref_squeeze %dma_start3A_135 : memref<1x4x200x64xf32, #tpu.memory_space<vmem>> -> memref<4x200x64xf32, #tpu.memory_space<vmem>>
    tpu.enqueue_dma source(%dma_start3A_136 : memref<4x200x64xf32, #tpu.memory_space<vmem>>) target(%dma_start3A_131 : memref<4x200x64xf32, #tpu.memory_space<hbm>>) target_semaphore(%arg10 : memref<!tpu.dma_semaphore, #tpu.memory_space<semaphore_mem>>)
    %sub3A = arith.constant 4 : i32
    %sub3A_137 = arith.subi %add3A_9, %sub3A : i32
    %dma_wait3A_138 = arith.constant 0 : i32
    %dma_wait3A_139 = arith.constant 0 : i32
    %dma_wait3A_140 = arith.constant 0 : i32
    %dma_wait3A_141 = arith.constant 0 : i32
    %dma_wait3A_142 = tpu.memref_slice %arg6[%dma_wait3A_138, %dma_wait3A_139, %dma_wait3A_140, %dma_wait3A_141] : memref<2x4x200x64xf32, #tpu.memory_space<vmem>> -> memref<1x4x200x64xf32, #tpu.memory_space<vmem>>
    %dma_wait3A_143 = tpu.memref_squeeze %dma_wait3A_142 : memref<1x4x200x64xf32, #tpu.memory_space<vmem>> -> memref<4x200x64xf32, #tpu.memory_space<vmem>>
    %dma_wait3A_144 = arith.constant 0 : i32
    %dma_wait3A_145 = arith.constant 0 : i32
    %dma_wait3A_146 = tpu.memref_slice %arg4[%sub3A_137, %dma_wait3A_144, %dma_wait3A_145] : memref<4096x200x64xf32, #tpu.memory_space<hbm>> -> memref<4x200x64xf32, #tpu.memory_space<hbm>>
    %dma_wait3A_147 = arith.constant 0 : i32
    %dma_wait3A_148 = arith.constant 0 : i32
    %dma_wait3A_149 = tpu.memref_slice %arg4[%sub3A_137, %dma_wait3A_147, %dma_wait3A_148] : memref<4096x200x64xf32, #tpu.memory_space<hbm>> -> memref<4x200x64xf32, #tpu.memory_space<hbm>>
    %dma_wait3A_150 = arith.constant 0 : i32
    %dma_wait3A_151 = arith.constant 0 : i32
    %dma_wait3A_152 = arith.constant 0 : i32
    %dma_wait3A_153 = tpu.memref_slice %arg6[%dma_wait3A_138, %dma_wait3A_150, %dma_wait3A_151, %dma_wait3A_152] : memref<2x4x200x64xf32, #tpu.memory_space<vmem>> -> memref<1x4x200x64xf32, #tpu.memory_space<vmem>>
    %dma_wait3A_154 = tpu.memref_squeeze %dma_wait3A_153 : memref<1x4x200x64xf32, #tpu.memory_space<vmem>> -> memref<4x200x64xf32, #tpu.memory_space<vmem>>
    tpu.wait_dma2 semaphore(%arg9 : memref<!tpu.dma_semaphore, #tpu.memory_space<semaphore_mem>>) src(%dma_wait3A_154 : memref<4x200x64xf32, #tpu.memory_space<vmem>>) dst(%dma_wait3A_149 : memref<4x200x64xf32, #tpu.memory_space<hbm>>)
    %dma_wait3A_155 = arith.constant 1 : i32
    %dma_wait3A_156 = arith.constant 0 : i32
    %dma_wait3A_157 = arith.constant 0 : i32
    %dma_wait3A_158 = arith.constant 0 : i32
    %dma_wait3A_159 = tpu.memref_slice %arg6[%dma_wait3A_155, %dma_wait3A_156, %dma_wait3A_157, %dma_wait3A_158] : memref<2x4x200x64xf32, #tpu.memory_space<vmem>> -> memref<1x4x200x64xf32, #tpu.memory_space<vmem>>
    %dma_wait3A_160 = tpu.memref_squeeze %dma_wait3A_159 : memref<1x4x200x64xf32, #tpu.memory_space<vmem>> -> memref<4x200x64xf32, #tpu.memory_space<vmem>>
    %dma_wait3A_161 = arith.constant 0 : i32
    %dma_wait3A_162 = arith.constant 0 : i32
    %dma_wait3A_163 = tpu.memref_slice %arg4[%add3A_9, %dma_wait3A_161, %dma_wait3A_162] : memref<4096x200x64xf32, #tpu.memory_space<hbm>> -> memref<4x200x64xf32, #tpu.memory_space<hbm>>
    %dma_wait3A_164 = arith.constant 0 : i32
    %dma_wait3A_165 = arith.constant 0 : i32
    %dma_wait3A_166 = tpu.memref_slice %arg4[%add3A_9, %dma_wait3A_164, %dma_wait3A_165] : memref<4096x200x64xf32, #tpu.memory_space<hbm>> -> memref<4x200x64xf32, #tpu.memory_space<hbm>>
    %dma_wait3A_167 = arith.constant 0 : i32
    %dma_wait3A_168 = arith.constant 0 : i32
    %dma_wait3A_169 = arith.constant 0 : i32
    %dma_wait3A_170 = tpu.memref_slice %arg6[%dma_wait3A_155, %dma_wait3A_167, %dma_wait3A_168, %dma_wait3A_169] : memref<2x4x200x64xf32, #tpu.memory_space<vmem>> -> memref<1x4x200x64xf32, #tpu.memory_space<vmem>>
    %dma_wait3A_171 = tpu.memref_squeeze %dma_wait3A_170 : memref<1x4x200x64xf32, #tpu.memory_space<vmem>> -> memref<4x200x64xf32, #tpu.memory_space<vmem>>
    tpu.wait_dma2 semaphore(%arg10 : memref<!tpu.dma_semaphore, #tpu.memory_space<semaphore_mem>>) src(%dma_wait3A_171 : memref<4x200x64xf32, #tpu.memory_space<vmem>>) dst(%dma_wait3A_166 : memref<4x200x64xf32, #tpu.memory_space<hbm>>)
    return
  }
}

</mosaic_0001>

<sc_bundles>
// kernel: kernel.3.cloned.1.call-start
scs
__scs_entry_jumppad:
0x0: {  	(pc) =	sbr.rel $0x88, $3  }
0x1: {  	(tag) =	ssettag $0x0;
	lr =	simm.s32 $0x1  }
0x2: {  	[smem:$0x3F9F] =	sst lr;
	_ =	strace $0xD0000000  }
0x3: {  	_ = 	snop  }
0x4: {  	_ = 	snop  }
0x5: {  	_ = 	snop  }
0x6: {  	_ = 	snop  }
0x7: {  	_ = 	snop  }
__scs_overlays_trampoline_lowered:
0x8: {  	[smem:$0x3FAE] =	sst s0  }
0x9: {  	[smem:$0x3FAF] =	sst s1  }
0xa: {  	[smem:$0x3FB0] =	sst s2  }
0xb: {  	[smem:$0x3FB1] =	sst s3  }
0xc: {  	[smem:$0x3FB2] =	sst s4  }
0xd: {  	[smem:$0x3FB3] =	sst s5  }
0xe: {  	[smem:$0x3FB4] =	sst s6  }
0xf: {  	[smem:$0x3FB5] =	sst s7  }
0x10: {  	[smem:$0x3FB6] =	sst s8  }
0x11: {  	[smem:$0x3FB7] =	sst s9;
	s0 =	simm.s32 @!p0 $0x0  }
0x12: {  	s1 =	sld [smem:$0x3F9D];
	s0 =	simm.s32 @p0 $0x1  }
0x13: {  	[smem:$0x3FB8] =	sst s0;
	s0 =	simm.s32 @!p1 $0x0  }
0x14: {  	s2 =	sld [smem:$0x3F9C];
	s0 =	simm.s32 @p1 $0x1  }
0x15: {  	[smem:$0x3FB9] =	sst s0;
	s0 =	simm.s32 @!p2 $0x0  }
0x16: {  	s3 =	sld [smem:$0x3FDB];
	s0 =	simm.s32 @p2 $0x1  }
0x17: {  	s4 =	simm.s32 $0x1BF5;
	[smem:$0x3FBB] =	sst s0  }
0x18: {  	s0 =	sld [smem:$0x3F9E];
	_ =	swait.ge [sflag:s4], $0x0  }
0x19: {  	s7 =	sld [smem:$0x3F9F]  }
0x1a: {  	s8 =	sadd.s32 $0xFFFFE003, lr  }
0x1b: {  	s9 =	sadd.s32 $0xFFFFFEF7, lr;
	s5 =	simm.s32 $0xFFFFFFFF;
	p2 =	slt.u32 s8, $0xFFFFF086  }
0x1c: {  	p1 =	slt.u32 s9, $0xF7A;
	s5 =	simm.s32 @!p2 $0x0  }
0x1d: {  	s5 =	simm.s32 @p1 $0x1;
	p0 =	seq.s32 s7, s2  }
0x1e: {  	s7 =	smul.u32 @!p0 $0xF7A, s2;
	p2 =	seq.s32 @!p0 s5, $0x0  }
0x1f: {  	s9 =	smul.u32 $0xF7A, s1;
	s8 =	simm.s32 @!p0 $0x1BF5;
	p2 =	por !p2, p0  }
0x20: {  	[sflag:s8] =	ssyncset.s32 @!p0 $0xFFFFF086;
	s6 =	sadd.s32 @!p0 s3, s7;
	s7 =	simm.s32 @!p0 $0x108  }
0x21: {  	s3 =	sadd.s32 s3, s9;
	s6 =	sadd.s32 @!p0 $0x88, s6;
	s7 =	simm.s32 @p2 $0x1082  }
0x22: {  	[simem:s7], [sflag:s8] =	dma.local @!p0 [hbm:s6], $0xF7A  }
0x23: {  	s9 =	sor.u32 $0xD0000000, s2;
	s6 =	simm.s32 $0x108;
	_ =	swait.ge @!p0 [sflag:s8], $0x0  }
0x24: {  	s3 =	sadd.s32 $0x88, s3;
	s6 =	simm.s32 @!p1 $0x1082;
	[sflag:s4] =	ssyncset.s32 $0xFFFFF086  }
0x25: {  	[simem:s6], [sflag:s4] =	dma.local [hbm:s3], $0xF7A  }
0x26: {  	[smem:$0x3F9F] =	sst s1;
	(tag) =	ssettag s2;
	_ =	strace s9  }
0x27: {  	s1 =	sld [smem:$0x3FAF]  }
0x28: {  	s2 =	sld [smem:$0x3FB0]  }
0x29: {  	s4 =	sld [smem:$0x3FB2]  }
0x2a: {  	p0 =	seq.s32 s5, $0x0;
	s5 =	sld [smem:$0x3FB3]  }
0x2b: {  	s6 =	sld [smem:$0x3FB4]  }
0x2c: {  	s7 =	sld [smem:$0x3FB5]  }
0x2d: {  	s3 =	simm.s32 $0x108;
	s8 =	sld [smem:$0x3FB6]  }
0x2e: {  	s3 =	simm.s32 @!p0 $0x1082;
	s9 =	sld [smem:$0x3FB7]  }
0x2f: {  	lr =	sadd.s32 s0, s3;
	s0 =	sld [smem:$0x3FAE]  }
0x30: {  	s3 =	sld [smem:$0x3FB1]  }
0x31: {  	[smem:$0x3FBA] =	sst s10  }
0x32: {  	s10 =	sld [smem:$0x3FB8];
	_ =	sdelay $0x3  }
0x33: {  	p0 =	seq.s32 s10, $0x1;
	s10 =	sld [smem:$0x3FBA];
	_ =	sdelay $0x3  }
0x34: {  	[smem:$0x3FBA] =	sst s10  }
0x35: {  	s10 =	sld [smem:$0x3FB9];
	_ =	sdelay $0x3  }
0x36: {  	p1 =	seq.s32 s10, $0x1;
	s10 =	sld [smem:$0x3FBA];
	_ =	sdelay $0x3  }
0x37: {  	[smem:$0x3FBA] =	sst s10  }
0x38: {  	s10 =	sld [smem:$0x3FBB]  }
0x39: {  	_ = 	snop;
	(pc) =	sbr.ind lr, $3  }
0x3a: {  	_ = 	snop  }
0x3b: {  	_ = 	snop  }
0x3c: {  	p2 =	seq.s32 s10, $0x1;
	s10 =	sld [smem:$0x3FBA]  }
0x3d: {  	_ =	shalt  }
0x3e: {  	_ =	shalt  }
0x3f: {  	_ =	shalt  }
0x40: {  	_ =	shalt  }
0x41: {  	_ =	shalt  }
0x42: {  	_ =	shalt  }
0x43: {  	_ =	shalt  }
0x44: {  	_ =	shalt  }
0x45: {  	_ =	shalt  }
0x46: {  	_ =	shalt  }
0x47: {  	_ =	shalt  }
0x48: {  	_ =	shalt  }
0x49: {  	_ =	shalt  }
0x4a: {  	_ =	shalt  }
0x4b: {  	_ =	shalt  }
0x4c: {  	_ =	shalt  }
0x4d: {  	_ =	shalt  }
0x4e: {  	_ =	shalt  }
0x4f: {  	_ =	shalt  }
0x50: {  	_ =	shalt  }
0x51: {  	_ =	shalt  }
0x52: {  	_ =	shalt  }
0x53: {  	_ =	shalt  }
0x54: {  	_ =	shalt  }
0x55: {  	_ =	shalt  }
0x56: {  	_ =	shalt  }
0x57: {  	_ =	shalt  }
0x58: {  	_ =	shalt  }
0x59: {  	_ =	shalt  }
0x5a: {  	_ =	shalt  }
0x5b: {  	_ =	shalt  }
0x5c: {  	_ =	shalt  }
0x5d: {  	_ =	shalt  }
0x5e: {  	_ =	shalt  }
0x5f: {  	_ =	shalt  }
0x60: {  	_ =	shalt  }
0x61: {  	_ =	shalt  }
0x62: {  	_ =	shalt  }
0x63: {  	_ =	shalt  }
0x64: {  	_ =	shalt  }
0x65: {  	_ =	shalt  }
0x66: {  	_ =	shalt  }
0x67: {  	_ =	shalt  }
0x68: {  	_ =	shalt  }
0x69: {  	_ =	shalt  }
0x6a: {  	_ =	shalt  }
0x6b: {  	_ =	shalt  }
0x6c: {  	_ =	shalt  }
0x6d: {  	_ =	shalt  }
0x6e: {  	_ =	shalt  }
0x6f: {  	_ =	shalt  }
0x70: {  	_ =	shalt  }
0x71: {  	_ =	shalt  }
0x72: {  	_ =	shalt  }
0x73: {  	_ =	shalt  }
0x74: {  	_ =	shalt  }
0x75: {  	_ =	shalt  }
0x76: {  	_ =	shalt  }
0x77: {  	_ =	shalt  }
0x78: {  	_ =	shalt  }
0x79: {  	_ =	shalt  }
0x7a: {  	_ =	shalt  }
0x7b: {  	_ =	shalt  }
0x7c: {  	_ =	shalt  }
0x7d: {  	_ =	shalt  }
0x7e: {  	_ =	shalt  }
0x7f: {  	_ =	shalt  }
0x80: {  	_ =	shalt  }
0x81: {  	_ =	shalt  }
0x82: {  	_ =	shalt  }
0x83: {  	_ =	shalt  }
0x84: {  	_ =	shalt  }
0x85: {  	_ =	shalt  }
0x86: {  	_ =	shalt  }
0x87: {  	_ =	shalt  }
.Lfunc_end0:
.L_simem_size_0:
called_computation.1_lowered:
.L_overlay_start_0:
0x88: {  	s2 =	sld [smem:$0x3FD9]  }
0x89: {  	s3 =	sld [smem:$0x3FFE];
	_ =	sdelay $0x1  }
0x8a: {  	s1 =	srdreg.scid  }
0x8b: {  	s0 =	sand.u32 $0x1, s1  }
0x8c: {  	s17 =	sshll.u32 s0, $0xA;
	s2 =	sadd.s32 s3, s2  }
0x8d: {  	s2 =	sadd.s32 s2, s17  }
0x8e: {  	[smem:$0x3FC6] =	sst s2  }
0x8f: {  	_ = 	snop  }
0x90: {  	s2 =	sld [smem:$0x3FD0];
	(tm) =	ssettm $0x1  }
0x91: {  	s18 =	sld [smem:$0x3FFB];
	_ =	sdelay $0x3  }
0x92: {  	_ =	strace s18  }
0x93: {  	s3 =	sld [smem:$0x3FFC];
	_ =	sdelay $0x3  }
0x94: {  	_ =	strace s3  }
0x95: {  	s3 =	sld [smem:$0x3FFD];
	_ =	sdelay $0x3  }
0x96: {  	_ =	strace s3  }
0x97: {  	_ =	strace $0x8FFFFFFF  }
0x98: {  	s19 =	sld [smem:$0x3FDB];
	_ =	sdelay $0x1  }
0x99: {  	s4 =	simm.s32 $_scs_section_size  }
0x9a: {  	s5 =	simm.s32 $_size__tile_overlayer_lowered;
	s6 =	simm.s32 $_tile_overlayer_lowered  }
0x9b: {  	s22 =	simm.s32 $0x1BFF;
	s21 =	sshll.u32 s6, $0x1;
	s3 =	sadd.s32 s4, s19  }
0x9c: {  	s7 =	simm.s32 $0x0;
	s20 =	sshll.u32 s5, $0x1;
	s5 =	sadd.s32 s21, s3  }
0x9d: {  	[timem:s7], [sflag:s22] =	dma.local [hbm:s5], s20  }
0x9e: {  	_ =	swait.ge [sflag:s22], s20  }
0x9f: {  	s4 =	ssub.s32 $0x0, s20;
	[sflag:s22] =	ssyncset.done $0x0  }
0xa0: {  	[sflag:s22] =	ssyncadd.s32 s4;
	_ =	sdelay $0x1  }
0xa1: {  	s23 =	simm.s32 $0x1B8B  }
0xa2: {  	_ =	swait.ge [sflag:s23], $0x1  }
0xa3: {  	[sflag:s23] =	ssyncset.done $0x0  }
0xa4: {  	s25 =	simm.s32 $0x1B8E;
	s24 =	sld [smem:$0x3FFE];
	[sflag:s23] =	ssyncadd.s32 $0xFFFFFFFF  }
0xa5: {  	s26 =	simm.s32 $execute0_lowered;
	[smem:$0x3FD2] =	sst s25  }
0xa6: {  	s5 =	sshll.u32 s26, $0x1;
	_ =	strace $0x80000046;
	[dreg:$0x1] =	wrdreg $0xFFFFFFFF  }
0xa7: {  	s28 =	simm.s32 $_size_execute0_lowered;
	s3 =	sadd.s32 s3, s5;
	[dreg:$0x0] =	wrdreg $0x0  }
0xa8: {  	s5 =	sshll.u32 s28, $0x1;
	[dreg:$0x2] =	wrdreg s3  }
0xa9: {  	[dreg:$0x3] =	wrdreg s5  }
0xaa: {  	[dreg:$0x4] =	wrdreg $0xC0  }
0xab: {  	_ =	task [dreg:s7], $0x5FFFF  }
0xac: {  	[dreg:$0x1] =	wrdreg $0xFFFFFFFF  }
0xad: {  	[dreg:$0x0] =	wrdreg $0x60  }
0xae: {  	[dreg:$0x2] =	wrdreg s24  }
0xaf: {  	[dreg:$0x3] =	wrdreg s2  }
0xb0: {  	[dreg:$0x4] =	wrdreg $0x9  }
0xb1: {  	_ =	task.clear_ibuf [dreg:s7], $0x5FFFF;
	_ =	strace $0x90000046  }
0xb2: {  	s29 =	simm.s32 $0x9;
	_ =	strace $0x80000048  }
0xb3: {  	_ =	swait.ge [sflag:s29], $0x1  }
0xb4: {  	[sflag:s29] =	ssyncadd.s32 $0xFFFFFFFF  }
0xb5: {  	_ =	strace $0x90000048  }
0xb6: {  	_ =	sfence  }
0xb7: {  	s30 =	sld [smem:$0x0];
	_ =	sdelay $0x2  }
0xb8: {  	s31 =	sshll.u32 s1, $0xD;
	s1 =	sshrl.u32 s1, $0x2  }
0xb9: {  	s3 =	sand.u32 $0x4000, s31;
	s1 =	sadd.s32 s1, s30  }
0xba: {  	s0 =	sor.u32 s3, s0;
	s1 =	sshll.u32 s1, $0x11  }
0xbb: {  	s0 =	sor.u32 s1, s0  }
0xbc: {  	s0 =	sadd.s32 $0x8F2B, s0  }
0xbd: {  	[sflag:s0] =	ssyncadd.remote.s32 $0x1  }
0xbe: {  	_ =	sfence.sel $0xFFFF  }
0xbf: {  	[dreg:$0x0] =	wrdreg $0xFFFFFFFF;
	(pc) =	sbr.abs _section_cstart, $3  }
0xc0: {  	[dreg:$0x1] =	wrdreg $0xFFFFFFFF  }
0xc1: {  	_ =	task.clear_ibuf [dreg:s7], $0x2FFFF;
	_ =	strace $0x9FFFFFFF  }
0xc2: {  	(tm) =	ssettm $0x7FFFFFFF  }
0xc3: {  	_ =	shalt  }
tec
execute0_lowered:
.L_overlay_start_1:
0x0: {  	(tag) =	ssettag $0x1  }
0x1: {  	s0 =	srdreg.scid;
	s1 =	rddreg [dreg:$0x0]  }
0x2: {  	s2 =	stileid.u32;
	s12 =	rddreg [dreg:$0x1];
	s13 =	simm.s32 $0x5  }
0x3: {  	s14 =	simm.s32 $0x320;
	s15 =	simm.s32 $0x6;
	s16 =	simm.s32 $0x80  }
0x4: {  	s17 =	simm.s32 $0xCE40;
	s18 =	simm.s32 $0x48;
	s28 =	simm.s32 $0x530  }
0x5: {  	s29 =	simm.s32 $0x15240;
	s30 =	simm.s32 $0x578;
	s8 =	smul.u32 $0xC800, s2  }
0x6: {  	s31 =	simm.s32 $0x16440;
	s0 =	sand.u32 $0x1, s0;
	s10 =	smul.u32 $0x320000, s2  }
0x7: {  	s3 =	sshll.u32 s2, $0x8;
	s4 =	sshll.u32 s0, $0x7;
	s20 =	smul.u32 $0x6400, s0  }
0x8: {  	s9 =	ssub.s32 $0x2, s0;
	s0 =	smul.u32 $0x190000, s0;
	s4 =	sor.u32 s4, s3  }
0x9: {  	s5 =	sadd.s32 $0xF42E00, s1;
	s3 =	simm.s32 $0x0;
	s6 =	smul.u32 $0x19, s4  }
0xa: {  	s11 =	sshrl.u32 s9, $0x1;
	[smem:$0x7FF] =	sst s3;
	s7 =	smul.u32 $0x3200, s4  }
0xb: {  	s4 =	sadd.s32 $0xA00, s1;
	s9 =	ssub.s32 s9, s11;
	s1 =	sadd.s32 s20, s8  }
0xc: {  	s0 =	sadd.s32 s0, s10;
	s10 =	simm.s32 $0x0;
	_ =	strace $0x80000047  }
0xd: {  	s23 =	smax.u32 s9, $0x1;
	s9 =	sadd.s32 $0x640, s1;
	s24 =	sshrl.u32 s0, $0x3  }
0xe: {  	s1 =	sor.u32 $0x320, s1;
	s0 =	sadd.s32 $0xFFFF3800, s0;
	s7 =	sshrl.u32 s7, $0x3  }
0xf: {  	s21 =	sadd.s32 s4, s6;
	[dreg:$0x5] =	wrdreg s23;
	s25 =	sadd.s32 s24, s12  }
0x10: {  	[dreg:$0x7] =	wrdreg s0;
	s26 =	sshrl.u32 s1, $0x3;
	s23 =	simm.s32 $0x468  }
.Ltmp0:
0x11: {  	s24 =	simm.s32 $0x12040;
	s1 =	simm.s32 $0x5F8;
	(pc) =	sbr.rel .LBB2_1-.Ltmp0, $4  }
0x12: {  	s6 =	simm.s32 $0x1;
	s7 =	sadd.s32 s12, s7;
	[dreg:$0x3] =	wrdreg s21  }
0x13: {  	[dreg:$0x6] =	wrdreg s25;
	s0 =	sadd.s32 s26, s4;
	s25 =	simm.s32 $0x4B0  }
0x14: {  	s26 =	simm.s32 $0x13240;
	s22 =	sadd.s32 $0x30700, s7;
	[dreg:$0x8] =	wrdreg s0  }
0x15: {  	s0 =	simm.s32 $0x18440;
	s7 =	simm.s32 $0x640;
	[dreg:$0x4] =	wrdreg s22  }
.LBB2_4:
0x16: {  	s2 =	simm.s32 $0x2  }
0x17: {  	_ =	swait.ge [sflag:s2], $0x2000  }
0x18: {  	[sflag:s2] =	ssyncset.done $0x0  }
0x19: {  	[sflag:s2] =	ssyncadd.s32 $0xFFFFE000  }
0x1a: {  	_ =	swait.ge [sflag:s2], $0x1200  }
0x1b: {  	[sflag:s2] =	ssyncset.done $0x0  }
0x1c: {  	[sflag:s2] =	ssyncadd.s32 $0xFFFFEE00  }
0x1d: {  	_ =	swait.ge [sflag:s2], $0x2000  }
0x1e: {  	[sflag:s2] =	ssyncset.done $0x0  }
0x1f: {  	[sflag:s2] =	ssyncadd.s32 $0xFFFFE000  }
0x20: {  	_ =	swait.ge [sflag:s2], $0x1200  }
0x21: {  	[sflag:s2] =	ssyncset.done $0x0  }
0x22: {  	[sflag:s2] =	ssyncadd.s32 $0xFFFFEE00  }
0x23: {  	_ =	swait.ge [sflag:s2], $0x2000  }
0x24: {  	[sflag:s2] =	ssyncset.done $0x0  }
0x25: {  	[sflag:s2] =	ssyncadd.s32 $0xFFFFE000  }
0x26: {  	_ =	swait.ge [sflag:s2], $0x1200  }
0x27: {  	[sflag:s2] =	ssyncset.done $0x0  }
0x28: {  	[sflag:s2] =	ssyncadd.s32 $0xFFFFEE00  }
0x29: {  	_ =	swait.ge [sflag:s2], $0x2000  }
0x2a: {  	[sflag:s2] =	ssyncset.done $0x0  }
0x2b: {  	[sflag:s2] =	ssyncadd.s32 $0xFFFFE000  }
0x2c: {  	_ =	swait.ge [sflag:s2], $0x1200  }
0x2d: {  	[sflag:s2] =	ssyncset.done $0x0  }
0x2e: {  	s21 =	simm.s32 $0x3;
	s20 =	rddreg [dreg:$0x4];
	[sflag:s2] =	ssyncadd.s32 $0xFFFFEE00  }
0x2f: {  	[hbm4b:s20+s3] =	stream.linear.scatter [tilespmem:s17], [sflag:$0x4], $0xC800, $0x38;
	[tilespmem:$0x19640] =	vst v63  }
0x30: {  	_ =	swait.ge [sflag:s21], $0xC800  }
0x31: {  	[sflag:s21] =	ssyncset.done $0x0  }
0x32: {  	s8 =	simm.s32 $0x4;
	[sflag:s21] =	ssyncadd.s32 $0xFFFF3800  }
0x33: {  	_ =	swait.ge [sflag:s8], $0xC800  }
0x34: {  	s10 =	rddreg [dreg:$0x9]  }
0x35: {  	s22 =	rddreg [dreg:$0x5];
	s10 =	sadd.s32 $0x1, s10  }
0x36: {  	p0 =	sne.s32 s10, s22  }
.Ltmp1:
0x37: {  	_ = 	snop;
	(pc) =	sbr.rel @!p0 .LBB2_5-.Ltmp1, $3  }
0x38: {  	_ =	sdelay $0x1  }
0x39: {  	[sflag:s8] =	ssyncset.done $0x0  }
0x3a: {  	[sflag:s8] =	ssyncadd.s32 $0xFFFF3800  }
.LBB2_1:
0x3b: {  	[dreg:$0x9] =	wrdreg s10  }
0x3c: {  	s2 =	rddreg [dreg:$0x3]  }
0x3d: {  	[tilespmem:s3], [sflag:$0x5] =	stream.linear.gather [hbm4b:s2+s3], $0x320, $0x38;
	[tilespmem:$0x19640] =	vst v63  }
0x3e: {  	_ =	swait.ge [sflag:s13], $0x320  }
0x3f: {  	s10 =	rddreg [dreg:$0x8]  }
0x40: {  	[sflag:s13] =	ssyncset.done $0x0;
	s11 =	rddreg [dreg:$0x7]  }
0x41: {  	s8 =	simm.s32 $0x0;
	s12 =	rddreg [dreg:$0x6];
	[sflag:s13] =	ssyncadd.s32 $0xFFFFFCE0  }
.LBB2_2:
0x42: {  	p0 =	seq.s32 s8, $0x0  }
0x43: {  	s2 =	simm.s32 @p0 $0x80;
	s19 =	simm.s32 @p0 $0x0;
	s20 =	simm.s32 @p0 $0x640  }
0x44: {  	[tilespmem:s20], [sflag:$0x1] =	stream.indirect.gather @p0 [hbm4b:s5+s2], $0x40, s19, s2, $0xb8;
	[tilespmem:$0x19640] =	vst v63  }
0x45: {  	s19 =	simm.s32 @p0 $0x48;
	s20 =	simm.s32 @p0 $0x2640  }
0x46: {  	[tilespmem:s20], [sflag:$0x1] =	stream.indirect.gather @p0 [hbm4b:s5+s19], $0x40, s2, s19, $0xb8;
	[tilespmem:$0x19640] =	vst v63  }
0x47: {  	s21 =	simm.s32 @p0 $0x3840;
	s20 =	simm.s32 @p0 $0xC8  }
0x48: {  	[tilespmem:s21], [sflag:$0x1] =	stream.indirect.gather @p0 [hbm4b:s5+s2], $0x40, s20, s2, $0xb8;
	[tilespmem:$0x19640] =	vst v63  }
0x49: {  	s20 =	simm.s32 @p0 $0x148;
	s21 =	simm.s32 @p0 $0x5840  }
0x4a: {  	[tilespmem:s21], [sflag:$0x1] =	stream.indirect.gather @p0 [hbm4b:s5+s19], $0x40, s20, s19, $0xb8;
	[tilespmem:$0x19640] =	vst v63  }
0x4b: {  	s20 =	simm.s32 @p0 $0x190;
	s21 =	simm.s32 @p0 $0x6A40  }
0x4c: {  	[tilespmem:s21], [sflag:$0x1] =	stream.indirect.gather @p0 [hbm4b:s5+s2], $0x40, s20, s2, $0xb8;
	[tilespmem:$0x19640] =	vst v63  }
0x4d: {  	s20 =	simm.s32 @p0 $0x210;
	s21 =	simm.s32 @p0 $0x8A40  }
0x4e: {  	[tilespmem:s21], [sflag:$0x1] =	stream.indirect.gather @p0 [hbm4b:s5+s19], $0x40, s20, s19, $0xb8;
	[tilespmem:$0x19640] =	vst v63  }
0x4f: {  	s20 =	simm.s32 @p0 $0x258;
	s21 =	simm.s32 @p0 $0x9C40  }
0x50: {  	[tilespmem:s21], [sflag:$0x1] =	stream.indirect.gather @p0 [hbm4b:s5+s2], $0x40, s20, s2, $0xb8;
	[tilespmem:$0x19640] =	vst v63  }
0x51: {  	s2 =	simm.s32 @p0 $0x2D8;
	s20 =	simm.s32 @p0 $0xBC40  }
0x52: {  	[tilespmem:s20], [sflag:$0x1] =	stream.indirect.gather @p0 [hbm4b:s5+s19], $0x40, s2, s19, $0xb8;
	[tilespmem:$0x19640] =	vst v63  }
0x53: {  	s2 =	simm.s32 @!p0 $0x3  }
0x54: {  	_ =	swait.ge @!p0 [sflag:s2], $0xC800  }
0x55: {  	s19 =	simm.s32 @!p0 $0x0;
	[sflag:s2] =	ssyncset.done @!p0 $0x0  }
0x56: {  	s20 =	simm.s32 @!p0 $0x640;
	[sflag:s2] =	ssyncadd.s32 @!p0 $0xFFFF3800;
	s2 =	simm.s32 @!p0 $0x80  }
0x57: {  	[tilespmem:s20], [sflag:$0x1] =	stream.indirect.gather @!p0 [hbm4b:s5+s2], $0x40, s19, s2, $0xb8;
	[tilespmem:$0x19640] =	vst v63  }
0x58: {  	s21 =	simm.s32 @!p0 $0x2640;
	s20 =	simm.s32 @!p0 $0x48  }
0x59: {  	[tilespmem:s21], [sflag:$0x1] =	stream.indirect.gather @!p0 [hbm4b:s5+s20], $0x40, s2, s20, $0xb8;
	[tilespmem:$0x19640] =	vst v63  }
0x5a: {  	s22 =	simm.s32 @!p0 $0x3840;
	s21 =	simm.s32 @!p0 $0xC8  }
0x5b: {  	[tilespmem:s22], [sflag:$0x1] =	stream.indirect.gather @!p0 [hbm4b:s5+s2], $0x40, s21, s2, $0xb8;
	[tilespmem:$0x19640] =	vst v63  }
0x5c: {  	s21 =	simm.s32 @!p0 $0x148;
	s22 =	simm.s32 @!p0 $0x5840  }
0x5d: {  	[tilespmem:s22], [sflag:$0x1] =	stream.indirect.gather @!p0 [hbm4b:s5+s20], $0x40, s21, s20, $0xb8;
	[tilespmem:$0x19640] =	vst v63  }
0x5e: {  	s21 =	simm.s32 @!p0 $0x190;
	s22 =	simm.s32 @!p0 $0x6A40  }
0x5f: {  	[tilespmem:s22], [sflag:$0x1] =	stream.indirect.gather @!p0 [hbm4b:s5+s2], $0x40, s21, s2, $0xb8;
	[tilespmem:$0x19640] =	vst v63  }
0x60: {  	s21 =	simm.s32 @!p0 $0x210;
	s22 =	simm.s32 @!p0 $0x8A40  }
0x61: {  	[tilespmem:s22], [sflag:$0x1] =	stream.indirect.gather @!p0 [hbm4b:s5+s20], $0x40, s21, s20, $0xb8;
	[tilespmem:$0x19640] =	vst v63  }
0x62: {  	s21 =	simm.s32 @!p0 $0x258;
	s22 =	simm.s32 @!p0 $0x9C40  }
0x63: {  	[tilespmem:s22], [sflag:$0x1] =	stream.indirect.gather @!p0 [hbm4b:s5+s2], $0x40, s21, s2, $0xb8;
	[tilespmem:$0x19640] =	vst v63  }
0x64: {  	s2 =	simm.s32 @!p0 $0x2D8;
	s21 =	simm.s32 @!p0 $0xBC40  }
0x65: {  	[tilespmem:s21], [sflag:$0x1] =	stream.indirect.gather @!p0 [hbm4b:s5+s20], $0x40, s2, s20, $0xb8;
	[tilespmem:$0x19640] =	vst v63  }
0x66: {  	s2 =	simm.s32 @!p0 $0x2  }
0x67: {  	_ =	swait.ge @!p0 [sflag:s2], $0x2000  }
0x68: {  	[sflag:s2] =	ssyncset.done @!p0 $0x0  }
0x69: {  	[sflag:s2] =	ssyncadd.s32 @!p0 $0xFFFFE000  }
0x6a: {  	_ =	swait.ge @!p0 [sflag:s2], $0x1200  }
0x6b: {  	[sflag:s2] =	ssyncset.done @!p0 $0x0  }
0x6c: {  	[sflag:s2] =	ssyncadd.s32 @!p0 $0xFFFFEE00  }
0x6d: {  	_ =	swait.ge @!p0 [sflag:s2], $0x2000  }
0x6e: {  	[sflag:s2] =	ssyncset.done @!p0 $0x0  }
0x6f: {  	[sflag:s2] =	ssyncadd.s32 @!p0 $0xFFFFE000  }
0x70: {  	_ =	swait.ge @!p0 [sflag:s2], $0x1200  }
0x71: {  	[sflag:s2] =	ssyncset.done @!p0 $0x0  }
0x72: {  	[sflag:s2] =	ssyncadd.s32 @!p0 $0xFFFFEE00  }
0x73: {  	_ =	swait.ge @!p0 [sflag:s2], $0x2000  }
0x74: {  	[sflag:s2] =	ssyncset.done @!p0 $0x0  }
0x75: {  	[sflag:s2] =	ssyncadd.s32 @!p0 $0xFFFFE000  }
0x76: {  	_ =	swait.ge @!p0 [sflag:s2], $0x1200  }
0x77: {  	[sflag:s2] =	ssyncset.done @!p0 $0x0  }
0x78: {  	[sflag:s2] =	ssyncadd.s32 @!p0 $0xFFFFEE00  }
0x79: {  	_ =	swait.ge @!p0 [sflag:s2], $0x2000  }
0x7a: {  	[sflag:s2] =	ssyncset.done @!p0 $0x0  }
0x7b: {  	[sflag:s2] =	ssyncadd.s32 @!p0 $0xFFFFE000  }
0x7c: {  	_ =	swait.ge @!p0 [sflag:s2], $0x1200  }
0x7d: {  	[sflag:s2] =	ssyncset.done @!p0 $0x0  }
0x7e: {  	[sflag:s2] =	ssyncadd.s32 @!p0 $0xFFFFEE00  }
0x7f: {  	s20 =	sshrl.u32 @!p0 s11, $0x3;
	s2 =	rddreg [dreg:$0x1]  }
0x80: {  	s2 =	sadd.s32 @!p0 s2, s20;
	s20 =	simm.s32 @!p0 $0xCE40  }
0x81: {  	[hbm4b:s2+s19] =	stream.linear.scatter @!p0 [tilespmem:s20], [sflag:$0x4], $0xC800, $0x38;
	[tilespmem:$0x19640] =	vst v63  }
0x82: {  	_ = 	snop  }
0x83: {  	[tilespmem:s14], [sflag:$0x6] =	stream.linear.gather [hbm4b:s10+s3], $0x320, $0x38;
	[tilespmem:$0x19640] =	vst v63  }
0x84: {  	_ =	swait.ge [sflag:s15], $0x320  }
0x85: {  	[sflag:s15] =	ssyncset.done $0x0  }
0x86: {  	s2 =	simm.s32 @!p0 $0x4;
	[sflag:s15] =	ssyncadd.s32 $0xFFFFFCE0  }
0x87: {  	_ =	swait.ge @!p0 [sflag:s2], $0xC800  }
0x88: {  	[sflag:s2] =	ssyncset.done @!p0 $0x0  }
0x89: {  	[sflag:s2] =	ssyncadd.s32 @!p0 $0xFFFF3800  }
0x8a: {  	[tilespmem:s17], [sflag:$0x2] =	stream.indirect.gather [hbm4b:s5+s16], $0x40, s14, s16, $0xb8;
	[tilespmem:$0x19640] =	vst v63  }
0x8b: {  	s19 =	simm.s32 $0x3A0;
	s20 =	simm.s32 $0xEE40  }
0x8c: {  	[tilespmem:s20], [sflag:$0x2] =	stream.indirect.gather [hbm4b:s5+s18], $0x40, s19, s18, $0xb8;
	[tilespmem:$0x19640] =	vst v63  }
0x8d: {  	s22 =	simm.s32 $0x10040;
	s21 =	simm.s32 $0x3E8  }
0x8e: {  	[tilespmem:s22], [sflag:$0x2] =	stream.indirect.gather [hbm4b:s5+s16], $0x40, s21, s16, $0xb8;
	[tilespmem:$0x19640] =	vst v63  }
0x8f: {  	_ = 	snop  }
0x90: {  	[tilespmem:s24], [sflag:$0x2] =	stream.indirect.gather [hbm4b:s5+s18], $0x40, s23, s18, $0xb8;
	[tilespmem:$0x19640] =	vst v63  }
0x91: {  	_ = 	snop  }
0x92: {  	[tilespmem:s26], [sflag:$0x2] =	stream.indirect.gather [hbm4b:s5+s16], $0x40, s25, s16, $0xb8;
	[tilespmem:$0x19640] =	vst v63  }
0x93: {  	_ = 	snop  }
0x94: {  	[tilespmem:s29], [sflag:$0x2] =	stream.indirect.gather [hbm4b:s5+s18], $0x40, s28, s18, $0xb8;
	[tilespmem:$0x19640] =	vst v63  }
0x95: {  	_ = 	snop  }
0x96: {  	[tilespmem:s31], [sflag:$0x2] =	stream.indirect.gather [hbm4b:s5+s16], $0x40, s30, s16, $0xb8;
	[tilespmem:$0x19640] =	vst v63  }
0x97: {  	_ = 	snop  }
0x98: {  	[tilespmem:s0], [sflag:$0x2] =	stream.indirect.gather [hbm4b:s5+s18], $0x40, s1, s18, $0xb8;
	[tilespmem:$0x19640] =	vst v63  }
0x99: {  	_ =	swait.ge [sflag:s6], $0x2000  }
0x9a: {  	[sflag:s6] =	ssyncset.done $0x0  }
0x9b: {  	[sflag:s6] =	ssyncadd.s32 $0xFFFFE000  }
0x9c: {  	_ =	swait.ge [sflag:s6], $0x1200  }
0x9d: {  	[sflag:s6] =	ssyncset.done $0x0  }
0x9e: {  	[sflag:s6] =	ssyncadd.s32 $0xFFFFEE00  }
0x9f: {  	_ =	swait.ge [sflag:s6], $0x2000  }
0xa0: {  	[sflag:s6] =	ssyncset.done $0x0  }
0xa1: {  	[sflag:s6] =	ssyncadd.s32 $0xFFFFE000  }
0xa2: {  	_ =	swait.ge [sflag:s6], $0x1200  }
0xa3: {  	[sflag:s6] =	ssyncset.done $0x0  }
0xa4: {  	[sflag:s6] =	ssyncadd.s32 $0xFFFFEE00  }
0xa5: {  	_ =	swait.ge [sflag:s6], $0x2000  }
0xa6: {  	[sflag:s6] =	ssyncset.done $0x0  }
0xa7: {  	[sflag:s6] =	ssyncadd.s32 $0xFFFFE000  }
0xa8: {  	_ =	swait.ge [sflag:s6], $0x1200  }
0xa9: {  	[sflag:s6] =	ssyncset.done $0x0  }
0xaa: {  	[sflag:s6] =	ssyncadd.s32 $0xFFFFEE00  }
0xab: {  	_ =	swait.ge [sflag:s6], $0x2000  }
0xac: {  	p0 =	seq.s32 s8, $0x5DC0;
	[sflag:s6] =	ssyncset.done $0x0  }
.Ltmp2:
0xad: {  	[sflag:s6] =	ssyncadd.s32 $0xFFFFE000;
	(pc) =	sbr.rel @p0 .LBB2_4-.Ltmp2, $4  }
0xae: {  	_ =	swait.ge [sflag:s6], $0x1200  }
0xaf: {  	[sflag:s6] =	ssyncset.done $0x0  }
0xb0: {  	[sflag:s6] =	ssyncadd.s32 $0xFFFFEE00  }
0xb1: {  	[hbm4b:s12+s3] =	stream.linear.scatter [tilespmem:s7], [sflag:$0x3], $0xC800, $0x38;
	[tilespmem:$0x19640] =	vst v63  }
0xb2: {  	s2 =	sadd.s32 s8, s9  }
0xb3: {  	s2 =	sshrl.u32 s2, $0x3  }
.Ltmp3:
0xb4: {  	s2 =	sadd.s32 s4, s2;
	(pc) =	sbr.rel .LBB2_2-.Ltmp3, $4  }
0xb5: {  	[tilespmem:s3], [sflag:$0x5] =	stream.linear.gather [hbm4b:s2+s3], $0x320, $0x38;
	[tilespmem:$0x19640] =	vst v63  }
0xb6: {  	_ =	swait.ge [sflag:s13], $0x320  }
0xb7: {  	s8 =	sadd.s32 $0x640, s8;
	s12 =	sadd.s32 $0x3200, s12;
	[sflag:s13] =	ssyncset.done $0x0  }
0xb8: {  	s11 =	sadd.s32 $0x19000, s11;
	s10 =	sadd.s32 $0xC8, s10;
	[sflag:s13] =	ssyncadd.s32 $0xFFFFFCE0  }
.LBB2_5:
0xb9: {  	_ =	sfence.sel $0x180000  }
0xba: {  	[bflag:$0x0] =	sbarrier.arrive $0xFFFF  }
0xbb: {  	_ =	strace $0x90000047  }
0xbc: {  	s0 =	stileid.u32;
	[bflag:$0x2] =	sbarrier.arrive $0xFFFF  }
0xbd: {  	p0 =	sne.s32 s0, $0x0;
	s0 =	rddreg [dreg:$0x2]  }
0xbe: {  	s0 =	sadd.s32 @!p0 $0x100000, s0  }
0xbf: {  	[sflag:s0] =	ssyncadd.tile.s32 @!p0 $0x1;
	_ =	shalt  }
.Lfunc_end2:
_tile_overlayer_lowered:
.L_overlay_start_2:
0xc0: {  	(tag) =	ssettag $0x2  }
0xc1: {  	s0 =	rddreg [dreg:$0x0];
	s2 =	stileid.u32  }
0xc2: {  	s1 =	rddreg [dreg:$0x1];
	p0 =	sne.s32 s2, $0x0  }
0xc3: {  	s3 =	rddreg [dreg:$0x2];
	[bflag:$0x3] =	sbarrier.arrive $0xFFFF;
	s2 =	simm.s32 @!p0 $0x1C05  }
0xc4: {  	[timem:s3], [sflag:s2] =	dma.local @!p0 [hbm:s0], s1  }
0xc5: {  	s0 =	simm.s32 @!p0 $0x5  }
0xc6: {  	_ =	swait.ge @!p0 [sflag:s0], s1  }
0xc7: {  	s1 =	ssub.s32 @!p0 $0x0, s1;
	[sflag:s0] =	ssyncset.done @!p0 $0x0  }
0xc8: {  	[sflag:s0] =	ssyncadd.s32 @!p0 s1  }
0xc9: {  	[bflag:$0x3] =	sbarrier.arrive $0xFFFF  }
0xca: {  	_ =	shalt  }

// kernel: sparse-core-data-format-call.cloned.1.call-start
scs
called_computation_lowered:
.L_overlay_start_0:
0x0: {  	s2 =	sld [smem:$0x3FD9]  }
0x1: {  	s3 =	sld [smem:$0x3FFE];
	_ =	sdelay $0x1  }
0x2: {  	s1 =	srdreg.scid  }
0x3: {  	s0 =	sand.u32 $0x1, s1  }
0x4: {  	s18 =	sshll.u32 s0, $0xA;
	s2 =	sadd.s32 s3, s2  }
0x5: {  	s2 =	sadd.s32 s2, s18  }
0x6: {  	[smem:$0x3FC6] =	sst s2  }
0x7: {  	_ = 	snop  }
0x8: {  	s2 =	sld [smem:$0x3FD0];
	(tm) =	ssettm $0x1  }
0x9: {  	s19 =	sld [smem:$0x3FFB];
	_ =	sdelay $0x3  }
0xa: {  	_ =	strace s19  }
0xb: {  	s3 =	sld [smem:$0x3FFC];
	_ =	sdelay $0x3  }
0xc: {  	_ =	strace s3  }
0xd: {  	s3 =	sld [smem:$0x3FFD];
	_ =	sdelay $0x3  }
0xe: {  	_ =	strace s3  }
0xf: {  	_ =	strace $0x8FFFFFFF  }
0x10: {  	s20 =	sld [smem:$0x3FDB];
	_ =	sdelay $0x1  }
0x11: {  	s4 =	simm.s32 $_scs_section_size  }
0x12: {  	s5 =	simm.s32 $_size__tile_overlayer_lowered;
	s6 =	simm.s32 $_tile_overlayer_lowered  }
0x13: {  	s23 =	simm.s32 $0x1BFF;
	s22 =	sshll.u32 s6, $0x1;
	s3 =	sadd.s32 s4, s20  }
0x14: {  	s7 =	simm.s32 $0x0;
	s21 =	sshll.u32 s5, $0x1;
	s5 =	sadd.s32 s22, s3  }
0x15: {  	[timem:s7], [sflag:s23] =	dma.local [hbm:s5], s21  }
0x16: {  	_ =	swait.ge [sflag:s23], s21  }
0x17: {  	s4 =	ssub.s32 $0x0, s21;
	[sflag:s23] =	ssyncset.done $0x0  }
0x18: {  	[sflag:s23] =	ssyncadd.s32 s4;
	_ =	sdelay $0x1  }
0x19: {  	s24 =	simm.s32 $0x1B8B  }
0x1a: {  	_ =	swait.ge [sflag:s24], $0x1  }
0x1b: {  	[sflag:s24] =	ssyncset.done $0x0  }
0x1c: {  	s26 =	simm.s32 $0x1B8E;
	s25 =	sld [smem:$0x3FFE];
	[sflag:s24] =	ssyncadd.s32 $0xFFFFFFFF  }
0x1d: {  	s27 =	simm.s32 $execute0_lowered;
	[smem:$0x3FD2] =	sst s26  }
0x1e: {  	s5 =	sshll.u32 s27, $0x1;
	_ =	strace $0x80000049;
	[dreg:$0x1] =	wrdreg $0xFFFFFFFF  }
0x1f: {  	s28 =	simm.s32 $_size_execute0_lowered;
	s3 =	sadd.s32 s3, s5;
	[dreg:$0x0] =	wrdreg $0x0  }
0x20: {  	s5 =	sshll.u32 s28, $0x1;
	[dreg:$0x2] =	wrdreg s3  }
0x21: {  	[dreg:$0x3] =	wrdreg s5  }
0x22: {  	[dreg:$0x4] =	wrdreg $0xC0  }
0x23: {  	_ =	task [dreg:s7], $0x5FFFF  }
0x24: {  	[dreg:$0x1] =	wrdreg $0xFFFFFFFF  }
0x25: {  	[dreg:$0x0] =	wrdreg $0x60  }
0x26: {  	[dreg:$0x2] =	wrdreg s25  }
0x27: {  	[dreg:$0x3] =	wrdreg s2  }
0x28: {  	[dreg:$0x4] =	wrdreg $0x9  }
0x29: {  	_ =	task.clear_ibuf [dreg:s7], $0x5FFFF;
	_ =	strace $0x90000049  }
0x2a: {  	s29 =	simm.s32 $0x9;
	_ =	strace $0x8000004B  }
0x2b: {  	_ =	swait.ge [sflag:s29], $0x1  }
0x2c: {  	[sflag:s29] =	ssyncadd.s32 $0xFFFFFFFF  }
0x2d: {  	_ =	strace $0x9000004B  }
0x2e: {  	_ =	sfence  }
0x2f: {  	s30 =	sld [smem:$0x0];
	_ =	sdelay $0x2  }
0x30: {  	s31 =	sshll.u32 s1, $0xD;
	s1 =	sshrl.u32 s1, $0x2  }
0x31: {  	s3 =	sand.u32 $0x4000, s31;
	s1 =	sadd.s32 s1, s30  }
0x32: {  	s0 =	sor.u32 s3, s0;
	s1 =	sshll.u32 s1, $0x11  }
0x33: {  	s0 =	sor.u32 s1, s0  }
0x34: {  	s0 =	sadd.s32 $0x8F2B, s0  }
0x35: {  	[sflag:s0] =	ssyncadd.remote.s32 $0x1  }
0x36: {  	_ =	sfence.sel $0xFFFF  }
0x37: {  	[dreg:$0x0] =	wrdreg $0xFFFFFFFF;
	(pc) =	sbr.abs _section_cstart, $3  }
0x38: {  	[dreg:$0x1] =	wrdreg $0xFFFFFFFF  }
0x39: {  	_ =	task.clear_ibuf [dreg:s7], $0x2FFFF;
	_ =	strace $0x9FFFFFFF  }
0x3a: {  	(tm) =	ssettm $0x7FFFFFFF  }
0x3b: {  	_ =	shalt  }
tec
execute0_lowered:
.L_overlay_start_1:
0x0: {  	(tag) =	ssettag $0x1  }
0x1: {  	s0 =	srdreg.scid  }
0x2: {  	s1 =	sshll.u32 s0, $0x4  }
0x3: {  	s0 =	stileid.u32;
	s1 =	sand.u32 $0x10, s1  }
0x4: {  	s1 =	sor.u32 s0, s1  }
0x5: {  	s6 =	rddreg [dreg:$0x0];
	s4 =	simm.s32 $0x1;
	s2 =	sshll.u32 s1, $0x7  }
0x6: {  	s7 =	simm.s32 $0x2;
	s12 =	simm.s32 $0x0;
	s1 =	ssub.s32 $0x1000, s2  }
0x7: {  	s8 =	simm.s32 $0x8000;
	s13 =	simm.s32 $0x0;
	s3 =	sand.u32 $0xF80, s1  }
0x8: {  	s9 =	simm.s32 $0x0;
	s5 =	sshrl.u32 s1, $0xC;
	p0 =	sne.s32 s3, $0x0  }
.Ltmp0:
0x9: {  	s1 =	rddreg [dreg:$0x2];
	s4 =	simm.s32 @!p0 $0x0;
	(pc) =	sbr.rel .LBB1_1-.Ltmp0, $4  }
0xa: {  	s11 =	simm.s32 $0x0;
	s3 =	rddreg [dreg:$0x1];
	s5 =	sadd.s32 s4, s5  }
0xb: {  	_ =	strace $0x8000004A;
	s4 =	simm.s32 $0x1;
	s5 =	smul.u32 $0xC8, s5  }
0xc: {  	s6 =	sadd.s32 $0xA00, s6;
	s10 =	smov.u32 s2;
	[sflag:s4] =	ssyncpa.u1 $0x0  }
0xd: {  	p0 =	por $0x0, $0x0;
	[sflag:s7] =	ssyncpa.u1 $0x0;
	s7 =	sor.u32 $0x1, s5  }
.LBB1_4:
0xe: {  	s16 =	sshll.u32 s13, $0x3;
	s17 =	sand.u32 $0x78, s13  }
0xf: {  	s30 =	sand.u32 $0x7E00, s13;
	s12 =	sshll.u32 s12, $0xF;
	s16 =	sand.u32 $0xC00, s16  }
0x10: {  	[tilespmem:s15+$0x810 ss:$0x81] =	vst.msk $0xffff, v2;
	s31 =	sand.u32 $0x7, s13;
	s16 =	sor.u32 s17, s16;
	s17 =	sadd.s32 s3, s30  }
0x11: {  	[tilespmem:s15+$0x1020 ss:$0x81] =	vst.msk $0xffff, v0;
	s13 =	sshll.u32 s31, $0x12;
	s12 =	sadd.s32 s12, s17;
	s16 =	sshrl.u32 s16, $0x3  }
0x12: {  	[tilespmem:s15+$0x0 ss:$0x81] =	vst.msk $0xffff, v1;
	s13 =	sor.u32 $0x400, s13;
	s12 =	sadd.s32 s16, s12  }
0x13: {  	[hbm4b:s12+s13] =	stream.strided.scatter [tilespmem:s14], [sflag:$0x2], $0x2000, s8, s13, $0x20;
	[tilespmem:$0x8080] =	vst v63  }
.LBB1_5:
0x14: {  	s14 =	sadd.s32 $0x1, s9  }
0x15: {  	s12 =	sadd.s32 $0x1000, s10;
	s16 =	smov.u32 s10;
	p2 =	sgt.s32 s14, $0xC7  }
0x16: {  	s16 =	smov.u32 @p2 s12  }
0x17: {  	s14 =	simm.s32 @p2 $0x0;
	p2 =	sgt.s32 s16, $0xFFF  }
0x18: {  	s16 =	smov.u32 @p2 s2;
	p2 =	sne.s32 s11, s7  }
.Ltmp1:
0x19: {  	p1 =	slt.u32 s11, $0x2;
	(pc) =	sbr.rel @!p2 .LBB1_6-.Ltmp1, $4  }
0x1a: {  	s15 =	simm.s32 @!p1 $0x2  }
0x1b: {  	s13 =	smov.u32 s10;
	p0 =	por !p0, !p0;
	_ =	swait.ge @!p1 [sflag:s15], $0x2000  }
0x1c: {  	s12 =	smov.u32 s9;
	[sflag:s15] =	ssyncset.done @!p1 $0x0;
	s9 =	smov.u32 s14  }
0x1d: {  	s11 =	sadd.s32 $0x1, s11;
	[sflag:s15] =	ssyncadd.s32 @!p1 $0xFFFFE000;
	s10 =	smov.u32 s16  }
.LBB1_1:
0x1e: {  	p1 =	sge.u32 s11, s5  }
0x1f: {  	s14 =	sand.u32 @!p1 $0x1FFFFFF, s9  }
0x20: {  	s15 =	smulhi.u32 @!p1 $0x147AE15, s14;
	_ =	sdelay $0x1  }
0x21: {  	s15 =	smul.u32 @!p1 $0xC8, s15  }
0x22: {  	s16 =	sxor.u32 @!p1 $0xFFFFFFFF, s11;
	s17 =	smul.u32 @!p1 $0xC80, s10  }
0x23: {  	s31 =	sadd.s32 $0xFFFFFFFF, s11;
	s16 =	sshll.u32 @!p1 s16, $0xD;
	s14 =	ssub.s32 @!p1 s14, s15  }
0x24: {  	s15 =	sand.u32 @!p1 $0x2000, s16;
	s16 =	sadd.s32 @!p1 s6, s17;
	s14 =	sshll.u32 @!p1 s14, $0x4  }
0x25: {  	s17 =	simm.s32 @!p1 $0x6400;
	s14 =	sadd.s32 @!p1 s14, s16;
	s16 =	simm.s32 @!p1 $0x40  }
0x26: {  	[tilespmem:s15], [sflag:$0x1] =	stream.strided.gather @!p1 [hbm4b:s14+s16], $0x2000, s17, s16, $0x38;
	[tilespmem:$0x8080] =	vst v63  }
0x27: {  	p1 =	sge.u32 s31, s5  }
.Ltmp2:
0x28: {  	_ = 	snop;
	(pc) =	sbr.rel @p1 .LBB1_5-.Ltmp2, $1  }
0x29: {  	_ =	sdelay $0x3  }
0x2a: {  	s14 =	simm.s32 $0x1  }
0x2b: {  	_ =	swait.ge [sflag:s4], $0x2000;
	s14 =	simm.s32 @!p0 $0x0  }
0x2c: {  	[sflag:s4] =	ssyncset.done $0x0;
	s15 =	sshll.u32 s14, $0xD  }
0x2d: {  	[sflag:s4] =	ssyncadd.s32 $0xFFFFE000;
	s18 =	sor.u32 $0x20, s15  }
0x2e: {  	s14 =	smul.u32 $0x8100, s14;
	v3 =	vld [tilespmem:s18+$0x10]  }
0x2f: {  	s30 =	sand.u32 $0x1, s11;
	v2 =	vld [tilespmem:s18+$0xFFFFFFF0]  }
0x30: {  	s15 =	smul.u32 $0x8100, s30;
	s14 =	sshrl.u32 s14, $0x2;
	v0 =	vld [tilespmem:s18+$0x0]  }
0x31: {  	v1 =	vld [tilespmem:s18+$0xFFFFFFE0];
	s16 =	sor.u32 $0x4000, s14  }
0x32: {  	s31 =	sshrl.u32 s15, $0x2;
	s15 =	sadd.s32 $0x0, s16  }
0x33: {  	s17 =	simm.s32 $0x4;
	s18 =	sadd.s32 $0x40, s18;
	s14 =	sor.u32 $0x4000, s31;
	[tilespmem:s15+$0x1830 ss:$0x81] =	vst.msk $0xffff, v3  }
.LBB1_3:
0x34: {  	v3 =	vld [tilespmem:s18+$0x10];
	p1 =	sne.s32 s17, $0x1FC;
	[tilespmem:s15+$0x810 ss:$0x81] =	vst.msk $0xffff, v2;
	s19 =	smov.u32 s17;
	s17 =	sadd.s32 $0x4, s17  }
.Ltmp3:
0x35: {  	v2 =	vld [tilespmem:s18+$0xFFFFFFF0];
	[tilespmem:s15+$0x1020 ss:$0x81] =	vst.msk $0xffff, v0;
	(pc) =	sbr.rel @p1 .LBB1_3-.Ltmp3, $4  }
0x36: {  	v0 =	vld [tilespmem:s18+$0x0];
	[tilespmem:s15+$0x0 ss:$0x81] =	vst.msk $0xffff, v1  }
0x37: {  	s15 =	sshra.s32 s19, $0x2;
	v1 =	vld [tilespmem:s18+$0xFFFFFFE0]  }
0x38: {  	s15 =	sadd.s32 s15, s16  }
0x39: {  	s18 =	sadd.s32 $0x40, s18;
	[tilespmem:s15+$0x1830 ss:$0x81] =	vst.msk $0xffff, v3  }
.Ltmp4:
0x3a: {  	_ = 	snop;
	(pc) =	sbr.rel .LBB1_4-.Ltmp4, $1  }
0x3b: {  	_ =	sdelay $0x3  }
.LBB1_6:
0x3c: {  	_ =	sfence.sel $0x180000  }
0x3d: {  	s2 =	simm.s32 $0x1;
	[bflag:$0x0] =	sbarrier.arrive $0xFFFF  }
0x3e: {  	s31 =	simm.s32 $0x2;
	[sflag:s2] =	ssyncpa.u1 $0x1  }
0x3f: {  	[sflag:s31] =	ssyncpa.u1 $0x1  }
0x40: {  	p0 =	sne.s32 s0, $0x0;
	_ =	strace $0x9000004A  }
0x41: {  	s0 =	sadd.s32 @!p0 $0x100000, s1;
	[bflag:$0x2] =	sbarrier.arrive $0xFFFF  }
0x42: {  	[sflag:s0] =	ssyncadd.tile.s32 @!p0 $0x1;
	_ =	shalt  }
.Lfunc_end1:
_tile_overlayer_lowered:
.L_overlay_start_2:
0x43: {  	(tag) =	ssettag $0x2  }
0x44: {  	s0 =	rddreg [dreg:$0x0];
	s2 =	stileid.u32  }
0x45: {  	s1 =	rddreg [dreg:$0x1];
	p0 =	sne.s32 s2, $0x0  }
0x46: {  	s3 =	rddreg [dreg:$0x2];
	[bflag:$0x3] =	sbarrier.arrive $0xFFFF;
	s2 =	simm.s32 @!p0 $0x1C01  }
0x47: {  	[timem:s3], [sflag:s2] =	dma.local @!p0 [hbm:s0], s1  }
0x48: {  	s0 =	simm.s32 @!p0 $0x1  }
0x49: {  	_ =	swait.ge @!p0 [sflag:s0], s1  }
0x4a: {  	s1 =	ssub.s32 @!p0 $0x0, s1;
	[sflag:s0] =	ssyncset.done @!p0 $0x0  }
0x4b: {  	[sflag:s0] =	ssyncadd.s32 @!p0 s1  }
0x4c: {  	[bflag:$0x3] =	sbarrier.arrive $0xFFFF  }
0x4d: {  	_ =	shalt  }

</sc_bundles>
